<compile_context>
chip_gen: v7x
topology: tpu7x:2x2x1
jax: 0.10.2.dev20260603
libtpu: 0.0.44.dev20260713+nightly
codegen_flags: <defaults>
</compile_context>

<pallas_src>
import jax
import jax.numpy as jnp
from jax import lax
from jax.experimental import pallas as pl
from jax.experimental.pallas import tpu as pltpu
from jax.experimental.pallas import tpu_sc as plsc

BATCH = 16384
IN_W = 1024
OUT_W = 512

NC = 2
NS = 16
NW = NC * NS
LANES = 16

ROWS_PER_W = BATCH // NW
RB = 64
NBATCH = ROWS_PER_W // RB
JGROUPS = OUT_W // LANES
U = 8
CHUNK = 128
SR = 128
NG = ROWS_PER_W // SR
BPG = SR // RB


def _gather_body(x_hbm, gates_hbm, out_hbm, idx_v,
                 st_a, st_b, out_a, out_b,
                 in_sem_a, in_sem_b, out_sem_a, out_sem_b):
    wid = lax.axis_index("s") * NC + lax.axis_index("c")
    row0 = wid * ROWS_PER_W

    pltpu.sync_copy(gates_hbm, idx_v)

    def red_body(k, carry):
        lo, hi = carry
        v = idx_v[pl.ds(k * LANES, LANES)]
        return jnp.minimum(lo, v), jnp.maximum(hi, v)

    lo_v, hi_v = lax.fori_loop(
        0, JGROUPS, red_body,
        (jnp.full((LANES,), IN_W - 1, jnp.int32),
         jnp.zeros((LANES,), jnp.int32)))
    c0 = jnp.min(lo_v) // CHUNK
    c1 = jnp.max(hi_v) // CHUNK
    nch = c1 - c0 + 1
    col_base = c0 * CHUNK

    stages = [st_a, st_b]
    outs = [out_a, out_b]
    in_sems = [in_sem_a, in_sem_b]
    out_sems = [out_sem_a, out_sem_b]

    def in_desc(g):
        return pltpu.make_async_copy(
            x_hbm.at[pl.ds(row0 + g * SR, SR), pl.ds(col_base, CHUNK)],
            stages[g % 2], in_sems[g % 2])

    def out_desc(b):
        return pltpu.make_async_copy(
            outs[b % 2], out_hbm.at[pl.ds(row0 + b * RB, RB), :],
            out_sems[b % 2])

    def compute(st_ref, roff, ob_ref, iv_base):
        def group_body(j, _):
            iv = idx_v[pl.ds(j * LANES, LANES)] - iv_base
            joff = j * LANES

            @plsc.parallel_loop(0, RB, step=1, unroll=U)
            def _(r):
                rsplat = jnp.zeros((LANES,), jnp.int32) + (roff + r)
                vals = plsc.load_gather(st_ref, [rsplat, iv])
                ob_ref[r, pl.ds(joff, LANES)] = vals.astype(jnp.int32)

            return 0

        lax.fori_loop(0, JGROUPS, group_body, 0, unroll=False)

    @pl.when(nch == 1)
    def _fast():
        in_desc(0).start()
        for g in range(NG):
            if g + 1 < NG:
                in_desc(g + 1).start()
            in_desc(g).wait()
            for k in range(BPG):
                b = g * BPG + k
                if b >= 2:
                    out_desc(b - 2).wait()
                compute(stages[g % 2], k * RB, outs[b % 2], col_base)
                out_desc(b).start()
        out_desc(NBATCH - 2).wait()
        out_desc(NBATCH - 1).wait()

    @pl.when(nch > 1)
    def _general():
        def batch_body(b, _):
            rbase = row0 + b * RB

            def chunk_body(c, _):
                pltpu.sync_copy(
                    x_hbm.at[pl.ds(rbase, RB),
                             pl.ds(col_base + c * CHUNK, CHUNK)],
                    st_a.at[pl.ds(0, RB), :])
                cb = col_base + c * CHUNK

                def group_body(j, _):
                    lc = idx_v[pl.ds(j * LANES, LANES)] - cb
                    m = (lc >= 0) & (lc < CHUNK)
                    lcc = jnp.clip(lc, 0, CHUNK - 1)
                    joff = j * LANES

                    @plsc.parallel_loop(0, RB, step=1, unroll=U)
                    def _(r):
                        rsplat = jnp.zeros((LANES,), jnp.int32) + r
                        vals = plsc.load_gather(st_a, [rsplat, lcc])
                        prev = out_a[r, pl.ds(joff, LANES)]
                        out_a[r, pl.ds(joff, LANES)] = jnp.where(
                            m, vals.astype(jnp.int32), prev)

                    return 0

                lax.fori_loop(0, JGROUPS, group_body, 0, unroll=False)
                return 0

            lax.fori_loop(0, nch, chunk_body, 0)
            pltpu.sync_copy(out_a, out_hbm.at[pl.ds(rbase, RB), :])
            return 0

        lax.fori_loop(0, NBATCH, batch_body, 0)


@jax.jit
def _gather(x, output_gates):
    mesh = plsc.VectorSubcoreMesh(core_axis_name="c", subcore_axis_name="s")
    return pl.kernel(
        _gather_body,
        out_type=jax.ShapeDtypeStruct((BATCH, OUT_W), jnp.int32),
        mesh=mesh,
        compiler_params=pltpu.CompilerParams(
            needs_layout_passes=False,
            use_tc_tiling_on_sc=True,
        ),
        scratch_types=[
            pltpu.VMEM((OUT_W,), jnp.int32),
            pltpu.VMEM((SR, CHUNK), jnp.float32),
            pltpu.VMEM((SR, CHUNK), jnp.float32),
            pltpu.VMEM((RB, OUT_W), jnp.int32),
            pltpu.VMEM((RB, OUT_W), jnp.int32),
            pltpu.SemaphoreType.DMA,
            pltpu.SemaphoreType.DMA,
            pltpu.SemaphoreType.DMA,
            pltpu.SemaphoreType.DMA,
        ],
    )(x, output_gates)


def kernel(x, output_gates):
    return _gather(x, output_gates)

# --- scband reference (transcript-rebuilt; emitter-appended) ---
"""Pipeline reference for scband-gator-601295422062 (READ-ONLY COPY).

The authoritative reference and input builder live on the scoring server;
editing this copy changes nothing except your own understanding.
"""

import jax, jax.numpy as jnp
import numpy as np

BATCH = 16384
INPUT_WIDTH = 1024
OUTPUT_WIDTH = 512

def setup_inputs(seed: int = 0) -> dict:
    key = jax.random.key(seed)
    # x is a binary (0/1) feature matrix, stored as float32 so the harness can treat it uniformly
    x = jax.random.randint(key, (BATCH, INPUT_WIDTH), 0, 2).astype(jnp.float32)
    # Gator.__init__ creates output_gates = zeros(output_width, dtype=long); gate_rows is empty at init
    output_gates = jnp.zeros((OUTPUT_WIDTH,), dtype=jnp.int32)
    return {"x": x, "output_gates": output_gates}

def reference(x, output_gates):
    # Gator.forward with an empty gate_rows ModuleList: gate_forward is identity,
    # then output = x[:, self.output_gates].long()
    gathered = jnp.take(x, output_gates, axis=1)
    return gathered.astype(jnp.int32)

if __name__ == "__main__":
    import jax
    _d = setup_inputs()
    print(jax.jit(kernel)(*tuple(_d.values())))

</pallas_src>

<mosaic_0001>
#map = affine_map<(d0, d1) -> (0, 0)>
#map1 = affine_map<(d0, d1) -> (0)>
module attributes {stable_mosaic.version = 14 : i64} {
  func.func @_gather_body(%arg0: i32, %arg1: i32, %arg2: memref<16384x1024xf32, #tpu.memory_space<hbm>>, %arg3: memref<512xi32, #tpu.memory_space<hbm>>, %arg4: memref<16384x512xi32, #tpu.memory_space<hbm>>, %arg5: memref<512xi32, #tpu.memory_space<vmem>>, %arg6: memref<128x128xf32, #tpu.memory_space<vmem>>, %arg7: memref<128x128xf32, #tpu.memory_space<vmem>>, %arg8: memref<64x512xi32, #tpu.memory_space<vmem>>, %arg9: memref<64x512xi32, #tpu.memory_space<vmem>>, %arg10: memref<!tpu.dma_semaphore, #tpu.memory_space<semaphore_mem>>, %arg11: memref<!tpu.dma_semaphore, #tpu.memory_space<semaphore_mem>>, %arg12: memref<!tpu.dma_semaphore, #tpu.memory_space<semaphore_mem>>, %arg13: memref<!tpu.dma_semaphore, #tpu.memory_space<semaphore_mem>>) attributes {dimension_semantics = [#tpu.dimension_semantics<core_parallel>, #tpu.dimension_semantics<subcore_parallel>], iteration_bounds = array<i64: 2, 16>, scalar_prefetch = 0 : i64, scratch_operands = 9 : i64, tpu.core_type = #tpu.core_type<sc_vector_subcore>, window_params = [{transform_indices = #map}, {transform_indices = #map1}, {transform_indices = #map}]} {
    %mul3A = arith.constant 2 : i32
    %mul3A_0 = arith.muli %arg1, %mul3A : i32
    %add3A = arith.addi %mul3A_0, %arg0 : i32
    %mul3A_1 = arith.constant 512 : i32
    %mul3A_2 = arith.muli %add3A, %mul3A_1 : i32
    "tpu.region"() ({
      %run_scoped3A = tpu.sem_alloc : memref<!tpu.dma_semaphore, #tpu.memory_space<semaphore_mem>>
      tpu.enqueue_dma source(%arg3 : memref<512xi32, #tpu.memory_space<hbm>>) target(%arg5 : memref<512xi32, #tpu.memory_space<vmem>>) target_semaphore(%run_scoped3A : memref<!tpu.dma_semaphore, #tpu.memory_space<semaphore_mem>>)
      tpu.wait_dma2 semaphore(%run_scoped3A : memref<!tpu.dma_semaphore, #tpu.memory_space<semaphore_mem>>) src(%arg3 : memref<512xi32, #tpu.memory_space<hbm>>) dst(%arg5 : memref<512xi32, #tpu.memory_space<vmem>>)
      tpu.yield
    }) : () -> ()
    %broadcast_in_dim3A = arith.constant 1023 : i32
    %broadcast_in_dim3A_3 = vector.broadcast %broadcast_in_dim3A : i32 to vector<16xi32>
    %broadcast_in_dim3A_4 = arith.constant 0 : i32
    %broadcast_in_dim3A_5 = vector.broadcast %broadcast_in_dim3A_4 : i32 to vector<16xi32>
    %scan3A = arith.constant 0 : i32
    %scan3A_6 = arith.constant 32 : i32
    %scan3A_7 = arith.addi %scan3A, %scan3A_6 : i32
    %scan3A_8 = arith.constant 1 : i32
    %scan3A_9:2 = scf.for %scan3A_76 = %scan3A to %scan3A_7 step %scan3A_8 iter_args(%scan3A_77 = %broadcast_in_dim3A_3, %scan3A_78 = %broadcast_in_dim3A_5) -> (vector<16xi32>, vector<16xi32>)  : i32 {
      %mul3A_79 = arith.constant 16 : i32
      %mul3A_80 = arith.muli %scan3A_76, %mul3A_79 : i32
      %get3A = arith.index_cast %mul3A_80 : i32 to index
      %get3A_81 = tpu.vector_load %arg5[%get3A] {strides = array<i32>} : memref<512xi32, #tpu.memory_space<vmem>>, vector<16xi32>,
      %min3A = arith.minsi %scan3A_77, %get3A_81 : vector<16xi32>
      %max3A = arith.maxsi %scan3A_78, %get3A_81 : vector<16xi32>
      scf.yield %min3A, %max3A : vector<16xi32>, vector<16xi32>
    }
    %scan3A_10 = arith.constant 32 : i32
    %reduce_min3A = arith.constant true
    %reduce_min3A_11 = vector.broadcast %reduce_min3A : i1 to vector<16xi1>
    %reduce_min3A_12 = arith.constant -2147483648 : i32
    %reduce_min3A_13 = vector.broadcast %reduce_min3A_12 : i32 to vector<16xi32>
    %reduce_min3A_14 = arith.xori %scan3A_9#0, %reduce_min3A_13 : vector<16xi32>
    %reduce_min3A_15 = tpu.scan <min>, %reduce_min3A_14 masked %reduce_min3A_11 : vector<16xi32>, vector<16xi1> -> vector<16xi32>
    %reduce_min3A_16 = arith.xori %reduce_min3A_15, %reduce_min3A_13 : vector<16xi32>
    %reduce_min3A_17 = vector.extract %reduce_min3A_16[15] : i32 from vector<16xi32>
    %jit3A = arith.constant 128 : i32
    %div3A = arith.divsi %reduce_min3A_17, %jit3A : i32
    %sign3A = arith.constant 0 : i32
    %sign3A_18 = arith.cmpi sgt, %reduce_min3A_17, %sign3A : i32
    %sign3A_19 = arith.extui %sign3A_18 : i1 to i32
    %sign3A_20 = arith.constant 0 : i32
    %sign3A_21 = arith.cmpi slt, %reduce_min3A_17, %sign3A_20 : i32
    %sign3A_22 = arith.extui %sign3A_21 : i1 to i32
    %sign3A_23 = arith.subi %sign3A_19, %sign3A_22 : i32
    %sign3A_24 = arith.constant 0 : i32
    %sign3A_25 = arith.cmpi sgt, %jit3A, %sign3A_24 : i32
    %sign3A_26 = arith.extui %sign3A_25 : i1 to i32
    %sign3A_27 = arith.constant 0 : i32
    %sign3A_28 = arith.cmpi slt, %jit3A, %sign3A_27 : i32
    %sign3A_29 = arith.extui %sign3A_28 : i1 to i32
    %sign3A_30 = arith.subi %sign3A_26, %sign3A_29 : i32
    %ne3A = arith.cmpi ne, %sign3A_23, %sign3A_30 : i32
    %rem3A = arith.remsi %reduce_min3A_17, %jit3A : i32
    %ne3A_31 = arith.constant 0 : i32
    %ne3A_32 = arith.cmpi ne, %rem3A, %ne3A_31 : i32
    %and3A = arith.andi %ne3A, %ne3A_32 : i1
    %sub3A = arith.constant 1 : i32
    %sub3A_33 = arith.subi %div3A, %sub3A : i32
    %select_n3A = arith.select %and3A, %sub3A_33, %div3A : i32
    %reduce_max3A = arith.constant true
    %reduce_max3A_34 = vector.broadcast %reduce_max3A : i1 to vector<16xi1>
    %reduce_max3A_35 = arith.constant -2147483648 : i32
    %reduce_max3A_36 = vector.broadcast %reduce_max3A_35 : i32 to vector<16xi32>
    %reduce_max3A_37 = arith.xori %scan3A_9#1, %reduce_max3A_36 : vector<16xi32>
    %reduce_max3A_38 = tpu.scan <max>, %reduce_max3A_37 masked %reduce_max3A_34 : vector<16xi32>, vector<16xi1> -> vector<16xi32>
    %reduce_max3A_39 = arith.xori %reduce_max3A_38, %reduce_max3A_36 : vector<16xi32>
    %reduce_max3A_40 = vector.extract %reduce_max3A_39[15] : i32 from vector<16xi32>
    %jit3A_41 = arith.constant 128 : i32
    %div3A_42 = arith.divsi %reduce_max3A_40, %jit3A_41 : i32
    %sign3A_43 = arith.constant 0 : i32
    %sign3A_44 = arith.cmpi sgt, %reduce_max3A_40, %sign3A_43 : i32
    %sign3A_45 = arith.extui %sign3A_44 : i1 to i32
    %sign3A_46 = arith.constant 0 : i32
    %sign3A_47 = arith.cmpi slt, %reduce_max3A_40, %sign3A_46 : i32
    %sign3A_48 = arith.extui %sign3A_47 : i1 to i32
    %sign3A_49 = arith.subi %sign3A_45, %sign3A_48 : i32
    %sign3A_50 = arith.constant 0 : i32
    %sign3A_51 = arith.cmpi sgt, %jit3A_41, %sign3A_50 : i32
    %sign3A_52 = arith.extui %sign3A_51 : i1 to i32
    %sign3A_53 = arith.constant 0 : i32
    %sign3A_54 = arith.cmpi slt, %jit3A_41, %sign3A_53 : i32
    %sign3A_55 = arith.extui %sign3A_54 : i1 to i32
    %sign3A_56 = arith.subi %sign3A_52, %sign3A_55 : i32
    %ne3A_57 = arith.cmpi ne, %sign3A_49, %sign3A_56 : i32
    %rem3A_58 = arith.remsi %reduce_max3A_40, %jit3A_41 : i32
    %ne3A_59 = arith.constant 0 : i32
    %ne3A_60 = arith.cmpi ne, %rem3A_58, %ne3A_59 : i32
    %and3A_61 = arith.andi %ne3A_57, %ne3A_60 : i1
    %sub3A_62 = arith.constant 1 : i32
    %sub3A_63 = arith.subi %div3A_42, %sub3A_62 : i32
    %select_n3A_64 = arith.select %and3A_61, %sub3A_63, %div3A_42 : i32
    %sub3A_65 = arith.subi %select_n3A_64, %select_n3A : i32
    %add3A_66 = arith.constant 1 : i32
    %add3A_67 = arith.addi %sub3A_65, %add3A_66 : i32
    %mul3A_68 = arith.constant 128 : i32
    %mul3A_69 = arith.muli %select_n3A, %mul3A_68 : i32
    %eq3A = arith.constant 1 : i32
    %eq3A_70 = arith.cmpi eq, %add3A_67, %eq3A : i32
    %convert_element_type3A = arith.extui %eq3A_70 : i1 to i32
    %cond3A = arith.constant 0 : i32
    %cond3A_71 = arith.cmpi ne, %convert_element_type3A, %cond3A : i32
    scf.if %cond3A_71 {
      %add3A_76 = arith.constant 0 : i32
      %add3A_77 = arith.addi %mul3A_2, %add3A_76 : i32
      %dma_start3A = tpu.memref_slice %arg2[%add3A_77, %mul3A_69] : memref<16384x1024xf32, #tpu.memory_space<hbm>> -> memref<128x128xf32, #tpu.memory_space<hbm>>
      %dma_start3A_78 = tpu.memref_slice %arg2[%add3A_77, %mul3A_69] : memref<16384x1024xf32, #tpu.memory_space<hbm>> -> memref<128x128xf32, #tpu.memory_space<hbm>>
      tpu.enqueue_dma source(%dma_start3A_78 : memref<128x128xf32, #tpu.memory_space<hbm>>) target(%arg6 : memref<128x128xf32, #tpu.memory_space<vmem>>) target_semaphore(%arg10 : memref<!tpu.dma_semaphore, #tpu.memory_space<semaphore_mem>>)
      %add3A_79 = arith.constant 128 : i32
      %add3A_80 = arith.addi %mul3A_2, %add3A_79 : i32
      %dma_start3A_81 = tpu.memref_slice %arg2[%add3A_80, %mul3A_69] : memref<16384x1024xf32, #tpu.memory_space<hbm>> -> memref<128x128xf32, #tpu.memory_space<hbm>>
      %dma_start3A_82 = tpu.memref_slice %arg2[%add3A_80, %mul3A_69] : memref<16384x1024xf32, #tpu.memory_space<hbm>> -> memref<128x128xf32, #tpu.memory_space<hbm>>
      tpu.enqueue_dma source(%dma_start3A_82 : memref<128x128xf32, #tpu.memory_space<hbm>>) target(%arg7 : memref<128x128xf32, #tpu.memory_space<vmem>>) target_semaphore(%arg11 : memref<!tpu.dma_semaphore, #tpu.memory_space<semaphore_mem>>)
      %add3A_83 = arith.constant 0 : i32
      %add3A_84 = arith.addi %mul3A_2, %add3A_83 : i32
      %dma_wait3A = tpu.memref_slice %arg2[%add3A_84, %mul3A_69] : memref<16384x1024xf32, #tpu.memory_space<hbm>> -> memref<128x128xf32, #tpu.memory_space<hbm>>
      %dma_wait3A_85 = tpu.memref_slice %arg2[%add3A_84, %mul3A_69] : memref<16384x1024xf32, #tpu.memory_space<hbm>> -> memref<128x128xf32, #tpu.memory_space<hbm>>
      tpu.wait_dma2 semaphore(%arg10 : memref<!tpu.dma_semaphore, #tpu.memory_space<semaphore_mem>>) src(%dma_wait3A_85 : memref<128x128xf32, #tpu.memory_space<hbm>>) dst(%arg6 : memref<128x128xf32, #tpu.memory_space<vmem>>)
      %scan3A_86 = arith.constant 0 : i32
      %scan3A_87 = arith.constant 0 : i32
      %scan3A_88 = arith.constant 32 : i32
      %scan3A_89 = arith.addi %scan3A_87, %scan3A_88 : i32
      %scan3A_90 = arith.constant 1 : i32
      %scan3A_91 = scf.for %scan3A_258 = %scan3A_87 to %scan3A_89 step %scan3A_90 iter_args(%scan3A_259 = %scan3A_86) -> (i32)  : i32 {
        %mul3A_260 = arith.constant 16 : i32
        %mul3A_261 = arith.muli %scan3A_258, %mul3A_260 : i32
        %get3A = arith.index_cast %mul3A_261 : i32 to index
        %get3A_262 = tpu.vector_load %arg5[%get3A] {strides = array<i32>} : memref<512xi32, #tpu.memory_space<vmem>>, vector<16xi32>,
        %sub3A_263 = vector.broadcast %mul3A_69 : i32 to vector<16xi32>
        %sub3A_264 = arith.subi %get3A_262, %sub3A_263 : vector<16xi32>
        %mul3A_265 = arith.constant 16 : i32
        %mul3A_266 = arith.muli %scan3A_258, %mul3A_265 : i32
        %parallel_loop3A = arith.constant 0 : i32
        %parallel_loop3A_267 = arith.constant 64 : i32
        %parallel_loop3A_268 = arith.constant 1 : i32
        scf.for %parallel_loop3A_270 = %parallel_loop3A to %parallel_loop3A_267 step %parallel_loop3A_268  : i32 {
          %parallel_loop3A_271 = arith.constant 0 : i32
          %parallel_loop3A_272 = vector.broadcast %parallel_loop3A_271 : i32 to vector<16xi32>
          %parallel_loop3A_273 = arith.constant 0 : i32
          %parallel_loop3A_274 = arith.addi %parallel_loop3A_273, %parallel_loop3A_270 : i32
          %parallel_loop3A_275 = vector.broadcast %parallel_loop3A_274 : i32 to vector<16xi32>
          %parallel_loop3A_276 = arith.addi %parallel_loop3A_272, %parallel_loop3A_275 : vector<16xi32>
          %parallel_loop3A_277 = tpu.vector_load_idx %arg6[%parallel_loop3A_276, %sub3A_264] : memref<128x128xf32, #tpu.memory_space<vmem>>[vector<16xi32>, vector<16xi32>], vector<16xf32>,
          %parallel_loop3A_278 = arith.fptosi %parallel_loop3A_277 : vector<16xf32> to vector<16xi32>
          %parallel_loop3A_279 = arith.index_cast %parallel_loop3A_270 : i32 to index
          %parallel_loop3A_280 = arith.index_cast %mul3A_266 : i32 to index
          %parallel_loop3A_281 = tpu.vector_load %arg8[%parallel_loop3A_279, %parallel_loop3A_280] {strides = array<i32>} : memref<64x512xi32, #tpu.memory_space<vmem>>, vector<16xi32>,
          tpu.vector_store %arg8[%parallel_loop3A_279, %parallel_loop3A_280], %parallel_loop3A_278 {strides = array<i32>} : memref<64x512xi32, #tpu.memory_space<vmem>>, vector<16xi32>,
        } {sc.loop_unroll_factor = 8 : i64, sc.parallel_access}
        %scan3A_269 = arith.constant 0 : i32
        scf.yield %scan3A_269 : i32
      }
      %scan3A_92 = arith.constant 32 : i32
      %add3A_93 = arith.constant 0 : i32
      %add3A_94 = arith.addi %mul3A_2, %add3A_93 : i32
      %dma_start3A_95 = arith.constant 0 : i32
      %dma_start3A_96 = tpu.memref_slice %arg4[%add3A_94, %dma_start3A_95] : memref<16384x512xi32, #tpu.memory_space<hbm>> -> memref<64x512xi32, #tpu.memory_space<hbm>>
      %dma_start3A_97 = arith.constant 0 : i32
      %dma_start3A_98 = tpu.memref_slice %arg4[%add3A_94, %dma_start3A_97] : memref<16384x512xi32, #tpu.memory_space<hbm>> -> memref<64x512xi32, #tpu.memory_space<hbm>>
      tpu.enqueue_dma source(%arg8 : memref<64x512xi32, #tpu.memory_space<vmem>>) target(%dma_start3A_98 : memref<64x512xi32, #tpu.memory_space<hbm>>) target_semaphore(%arg12 : memref<!tpu.dma_semaphore, #tpu.memory_space<semaphore_mem>>)
      %scan3A_99 = arith.constant 0 : i32
      %scan3A_100 = arith.constant 0 : i32
      %scan3A_101 = arith.constant 32 : i32
      %scan3A_102 = arith.addi %scan3A_100, %scan3A_101 : i32
      %scan3A_103 = arith.constant 1 : i32
      %scan3A_104 = scf.for %scan3A_258 = %scan3A_100 to %scan3A_102 step %scan3A_103 iter_args(%scan3A_259 = %scan3A_99) -> (i32)  : i32 {
        %mul3A_260 = arith.constant 16 : i32
        %mul3A_261 = arith.muli %scan3A_258, %mul3A_260 : i32
        %get3A = arith.index_cast %mul3A_261 : i32 to index
        %get3A_262 = tpu.vector_load %arg5[%get3A] {strides = array<i32>} : memref<512xi32, #tpu.memory_space<vmem>>, vector<16xi32>,
        %sub3A_263 = vector.broadcast %mul3A_69 : i32 to vector<16xi32>
        %sub3A_264 = arith.subi %get3A_262, %sub3A_263 : vector<16xi32>
        %mul3A_265 = arith.constant 16 : i32
        %mul3A_266 = arith.muli %scan3A_258, %mul3A_265 : i32
        %parallel_loop3A = arith.constant 0 : i32
        %parallel_loop3A_267 = arith.constant 64 : i32
        %parallel_loop3A_268 = arith.constant 1 : i32
        scf.for %parallel_loop3A_270 = %parallel_loop3A to %parallel_loop3A_267 step %parallel_loop3A_268  : i32 {
          %parallel_loop3A_271 = arith.constant 0 : i32
          %parallel_loop3A_272 = vector.broadcast %parallel_loop3A_271 : i32 to vector<16xi32>
          %parallel_loop3A_273 = arith.constant 64 : i32
          %parallel_loop3A_274 = arith.addi %parallel_loop3A_273, %parallel_loop3A_270 : i32
          %parallel_loop3A_275 = vector.broadcast %parallel_loop3A_274 : i32 to vector<16xi32>
          %parallel_loop3A_276 = arith.addi %parallel_loop3A_272, %parallel_loop3A_275 : vector<16xi32>
          %parallel_loop3A_277 = tpu.vector_load_idx %arg6[%parallel_loop3A_276, %sub3A_264] : memref<128x128xf32, #tpu.memory_space<vmem>>[vector<16xi32>, vector<16xi32>], vector<16xf32>,
          %parallel_loop3A_278 = arith.fptosi %parallel_loop3A_277 : vector<16xf32> to vector<16xi32>
          %parallel_loop3A_279 = arith.index_cast %parallel_loop3A_270 : i32 to index
          %parallel_loop3A_280 = arith.index_cast %mul3A_266 : i32 to index
          %parallel_loop3A_281 = tpu.vector_load %arg9[%parallel_loop3A_279, %parallel_loop3A_280] {strides = array<i32>} : memref<64x512xi32, #tpu.memory_space<vmem>>, vector<16xi32>,
          tpu.vector_store %arg9[%parallel_loop3A_279, %parallel_loop3A_280], %parallel_loop3A_278 {strides = array<i32>} : memref<64x512xi32, #tpu.memory_space<vmem>>, vector<16xi32>,
        } {sc.loop_unroll_factor = 8 : i64, sc.parallel_access}
        %scan3A_269 = arith.constant 0 : i32
        scf.yield %scan3A_269 : i32
      }
      %scan3A_105 = arith.constant 32 : i32
      %add3A_106 = arith.constant 64 : i32
      %add3A_107 = arith.addi %mul3A_2, %add3A_106 : i32
      %dma_start3A_108 = arith.constant 0 : i32
      %dma_start3A_109 = tpu.memref_slice %arg4[%add3A_107, %dma_start3A_108] : memref<16384x512xi32, #tpu.memory_space<hbm>> -> memref<64x512xi32, #tpu.memory_space<hbm>>
      %dma_start3A_110 = arith.constant 0 : i32
      %dma_start3A_111 = tpu.memref_slice %arg4[%add3A_107, %dma_start3A_110] : memref<16384x512xi32, #tpu.memory_space<hbm>> -> memref<64x512xi32, #tpu.memory_space<hbm>>
      tpu.enqueue_dma source(%arg9 : memref<64x512xi32, #tpu.memory_space<vmem>>) target(%dma_start3A_111 : memref<64x512xi32, #tpu.memory_space<hbm>>) target_semaphore(%arg13 : memref<!tpu.dma_semaphore, #tpu.memory_space<semaphore_mem>>)
      %add3A_112 = arith.constant 256 : i32
      %add3A_113 = arith.addi %mul3A_2, %add3A_112 : i32
      %dma_start3A_114 = tpu.memref_slice %arg2[%add3A_113, %mul3A_69] : memref<16384x1024xf32, #tpu.memory_space<hbm>> -> memref<128x128xf32, #tpu.memory_space<hbm>>
      %dma_start3A_115 = tpu.memref_slice %arg2[%add3A_113, %mul3A_69] : memref<16384x1024xf32, #tpu.memory_space<hbm>> -> memref<128x128xf32, #tpu.memory_space<hbm>>
      tpu.enqueue_dma source(%dma_start3A_115 : memref<128x128xf32, #tpu.memory_space<hbm>>) target(%arg6 : memref<128x128xf32, #tpu.memory_space<vmem>>) target_semaphore(%arg10 : memref<!tpu.dma_semaphore, #tpu.memory_space<semaphore_mem>>)
      %add3A_116 = arith.constant 128 : i32
      %add3A_117 = arith.addi %mul3A_2, %add3A_116 : i32
      %dma_wait3A_118 = tpu.memref_slice %arg2[%add3A_117, %mul3A_69] : memref<16384x1024xf32, #tpu.memory_space<hbm>> -> memref<128x128xf32, #tpu.memory_space<hbm>>
      %dma_wait3A_119 = tpu.memref_slice %arg2[%add3A_117, %mul3A_69] : memref<16384x1024xf32, #tpu.memory_space<hbm>> -> memref<128x128xf32, #tpu.memory_space<hbm>>
      tpu.wait_dma2 semaphore(%arg11 : memref<!tpu.dma_semaphore, #tpu.memory_space<semaphore_mem>>) src(%dma_wait3A_119 : memref<128x128xf32, #tpu.memory_space<hbm>>) dst(%arg7 : memref<128x128xf32, #tpu.memory_space<vmem>>)
      %add3A_120 = arith.constant 0 : i32
      %add3A_121 = arith.addi %mul3A_2, %add3A_120 : i32
      %dma_wait3A_122 = arith.constant 0 : i32
      %dma_wait3A_123 = tpu.memref_slice %arg4[%add3A_121, %dma_wait3A_122] : memref<16384x512xi32, #tpu.memory_space<hbm>> -> memref<64x512xi32, #tpu.memory_space<hbm>>
      %dma_wait3A_124 = arith.constant 0 : i32
      %dma_wait3A_125 = tpu.memref_slice %arg4[%add3A_121, %dma_wait3A_124] : memref<16384x512xi32, #tpu.memory_space<hbm>> -> memref<64x512xi32, #tpu.memory_space<hbm>>
      tpu.wait_dma2 semaphore(%arg12 : memref<!tpu.dma_semaphore, #tpu.memory_space<semaphore_mem>>) src(%arg8 : memref<64x512xi32, #tpu.memory_space<vmem>>) dst(%dma_wait3A_125 : memref<64x512xi32, #tpu.memory_space<hbm>>)
      %scan3A_126 = arith.constant 0 : i32
      %scan3A_127 = arith.constant 0 : i32
      %scan3A_128 = arith.constant 32 : i32
      %scan3A_129 = arith.addi %scan3A_127, %scan3A_128 : i32
      %scan3A_130 = arith.constant 1 : i32
      %scan3A_131 = scf.for %scan3A_258 = %scan3A_127 to %scan3A_129 step %scan3A_130 iter_args(%scan3A_259 = %scan3A_126) -> (i32)  : i32 {
        %mul3A_260 = arith.constant 16 : i32
        %mul3A_261 = arith.muli %scan3A_258, %mul3A_260 : i32
        %get3A = arith.index_cast %mul3A_261 : i32 to index
        %get3A_262 = tpu.vector_load %arg5[%get3A] {strides = array<i32>} : memref<512xi32, #tpu.memory_space<vmem>>, vector<16xi32>,
        %sub3A_263 = vector.broadcast %mul3A_69 : i32 to vector<16xi32>
        %sub3A_264 = arith.subi %get3A_262, %sub3A_263 : vector<16xi32>
        %mul3A_265 = arith.constant 16 : i32
        %mul3A_266 = arith.muli %scan3A_258, %mul3A_265 : i32
        %parallel_loop3A = arith.constant 0 : i32
        %parallel_loop3A_267 = arith.constant 64 : i32
        %parallel_loop3A_268 = arith.constant 1 : i32
        scf.for %parallel_loop3A_270 = %parallel_loop3A to %parallel_loop3A_267 step %parallel_loop3A_268  : i32 {
          %parallel_loop3A_271 = arith.constant 0 : i32
          %parallel_loop3A_272 = vector.broadcast %parallel_loop3A_271 : i32 to vector<16xi32>
          %parallel_loop3A_273 = arith.constant 0 : i32
          %parallel_loop3A_274 = arith.addi %parallel_loop3A_273, %parallel_loop3A_270 : i32
          %parallel_loop3A_275 = vector.broadcast %parallel_loop3A_274 : i32 to vector<16xi32>
          %parallel_loop3A_276 = arith.addi %parallel_loop3A_272, %parallel_loop3A_275 : vector<16xi32>
          %parallel_loop3A_277 = tpu.vector_load_idx %arg7[%parallel_loop3A_276, %sub3A_264] : memref<128x128xf32, #tpu.memory_space<vmem>>[vector<16xi32>, vector<16xi32>], vector<16xf32>,
          %parallel_loop3A_278 = arith.fptosi %parallel_loop3A_277 : vector<16xf32> to vector<16xi32>
          %parallel_loop3A_279 = arith.index_cast %parallel_loop3A_270 : i32 to index
          %parallel_loop3A_280 = arith.index_cast %mul3A_266 : i32 to index
          %parallel_loop3A_281 = tpu.vector_load %arg8[%parallel_loop3A_279, %parallel_loop3A_280] {strides = array<i32>} : memref<64x512xi32, #tpu.memory_space<vmem>>, vector<16xi32>,
          tpu.vector_store %arg8[%parallel_loop3A_279, %parallel_loop3A_280], %parallel_loop3A_278 {strides = array<i32>} : memref<64x512xi32, #tpu.memory_space<vmem>>, vector<16xi32>,
        } {sc.loop_unroll_factor = 8 : i64, sc.parallel_access}
        %scan3A_269 = arith.constant 0 : i32
        scf.yield %scan3A_269 : i32
      }
      %scan3A_132 = arith.constant 32 : i32
      %add3A_133 = arith.constant 128 : i32
      %add3A_134 = arith.addi %mul3A_2, %add3A_133 : i32
      %dma_start3A_135 = arith.constant 0 : i32
      %dma_start3A_136 = tpu.memref_slice %arg4[%add3A_134, %dma_start3A_135] : memref<16384x512xi32, #tpu.memory_space<hbm>> -> memref<64x512xi32, #tpu.memory_space<hbm>>
      %dma_start3A_137 = arith.constant 0 : i32
      %dma_start3A_138 = tpu.memref_slice %arg4[%add3A_134, %dma_start3A_137] : memref<16384x512xi32, #tpu.memory_space<hbm>> -> memref<64x512xi32, #tpu.memory_space<hbm>>
      tpu.enqueue_dma source(%arg8 : memref<64x512xi32, #tpu.memory_space<vmem>>) target(%dma_start3A_138 : memref<64x512xi32, #tpu.memory_space<hbm>>) target_semaphore(%arg12 : memref<!tpu.dma_semaphore, #tpu.memory_space<semaphore_mem>>)
      %add3A_139 = arith.constant 64 : i32
      %add3A_140 = arith.addi %mul3A_2, %add3A_139 : i32
      %dma_wait3A_141 = arith.constant 0 : i32
      %dma_wait3A_142 = tpu.memref_slice %arg4[%add3A_140, %dma_wait3A_141] : memref<16384x512xi32, #tpu.memory_space<hbm>> -> memref<64x512xi32, #tpu.memory_space<hbm>>
      %dma_wait3A_143 = arith.constant 0 : i32
      %dma_wait3A_144 = tpu.memref_slice %arg4[%add3A_140, %dma_wait3A_143] : memref<16384x512xi32, #tpu.memory_space<hbm>> -> memref<64x512xi32, #tpu.memory_space<hbm>>
      tpu.wait_dma2 semaphore(%arg13 : memref<!tpu.dma_semaphore, #tpu.memory_space<semaphore_mem>>) src(%arg9 : memref<64x512xi32, #tpu.memory_space<vmem>>) dst(%dma_wait3A_144 : memref<64x512xi32, #tpu.memory_space<hbm>>)
      %scan3A_145 = arith.constant 0 : i32
      %scan3A_146 = arith.constant 0 : i32
      %scan3A_147 = arith.constant 32 : i32
      %scan3A_148 = arith.addi %scan3A_146, %scan3A_147 : i32
      %scan3A_149 = arith.constant 1 : i32
      %scan3A_150 = scf.for %scan3A_258 = %scan3A_146 to %scan3A_148 step %scan3A_149 iter_args(%scan3A_259 = %scan3A_145) -> (i32)  : i32 {
        %mul3A_260 = arith.constant 16 : i32
        %mul3A_261 = arith.muli %scan3A_258, %mul3A_260 : i32
        %get3A = arith.index_cast %mul3A_261 : i32 to index
        %get3A_262 = tpu.vector_load %arg5[%get3A] {strides = array<i32>} : memref<512xi32, #tpu.memory_space<vmem>>, vector<16xi32>,
        %sub3A_263 = vector.broadcast %mul3A_69 : i32 to vector<16xi32>
        %sub3A_264 = arith.subi %get3A_262, %sub3A_263 : vector<16xi32>
        %mul3A_265 = arith.constant 16 : i32
        %mul3A_266 = arith.muli %scan3A_258, %mul3A_265 : i32
        %parallel_loop3A = arith.constant 0 : i32
        %parallel_loop3A_267 = arith.constant 64 : i32
        %parallel_loop3A_268 = arith.constant 1 : i32
        scf.for %parallel_loop3A_270 = %parallel_loop3A to %parallel_loop3A_267 step %parallel_loop3A_268  : i32 {
          %parallel_loop3A_271 = arith.constant 0 : i32
          %parallel_loop3A_272 = vector.broadcast %parallel_loop3A_271 : i32 to vector<16xi32>
          %parallel_loop3A_273 = arith.constant 64 : i32
          %parallel_loop3A_274 = arith.addi %parallel_loop3A_273, %parallel_loop3A_270 : i32
          %parallel_loop3A_275 = vector.broadcast %parallel_loop3A_274 : i32 to vector<16xi32>
          %parallel_loop3A_276 = arith.addi %parallel_loop3A_272, %parallel_loop3A_275 : vector<16xi32>
          %parallel_loop3A_277 = tpu.vector_load_idx %arg7[%parallel_loop3A_276, %sub3A_264] : memref<128x128xf32, #tpu.memory_space<vmem>>[vector<16xi32>, vector<16xi32>], vector<16xf32>,
          %parallel_loop3A_278 = arith.fptosi %parallel_loop3A_277 : vector<16xf32> to vector<16xi32>
          %parallel_loop3A_279 = arith.index_cast %parallel_loop3A_270 : i32 to index
          %parallel_loop3A_280 = arith.index_cast %mul3A_266 : i32 to index
          %parallel_loop3A_281 = tpu.vector_load %arg9[%parallel_loop3A_279, %parallel_loop3A_280] {strides = array<i32>} : memref<64x512xi32, #tpu.memory_space<vmem>>, vector<16xi32>,
          tpu.vector_store %arg9[%parallel_loop3A_279, %parallel_loop3A_280], %parallel_loop3A_278 {strides = array<i32>} : memref<64x512xi32, #tpu.memory_space<vmem>>, vector<16xi32>,
        } {sc.loop_unroll_factor = 8 : i64, sc.parallel_access}
        %scan3A_269 = arith.constant 0 : i32
        scf.yield %scan3A_269 : i32
      }
      %scan3A_151 = arith.constant 32 : i32
      %add3A_152 = arith.constant 192 : i32
      %add3A_153 = arith.addi %mul3A_2, %add3A_152 : i32
      %dma_start3A_154 = arith.constant 0 : i32
      %dma_start3A_155 = tpu.memref_slice %arg4[%add3A_153, %dma_start3A_154] : memref<16384x512xi32, #tpu.memory_space<hbm>> -> memref<64x512xi32, #tpu.memory_space<hbm>>
      %dma_start3A_156 = arith.constant 0 : i32
      %dma_start3A_157 = tpu.memref_slice %arg4[%add3A_153, %dma_start3A_156] : memref<16384x512xi32, #tpu.memory_space<hbm>> -> memref<64x512xi32, #tpu.memory_space<hbm>>
      tpu.enqueue_dma source(%arg9 : memref<64x512xi32, #tpu.memory_space<vmem>>) target(%dma_start3A_157 : memref<64x512xi32, #tpu.memory_space<hbm>>) target_semaphore(%arg13 : memref<!tpu.dma_semaphore, #tpu.memory_space<semaphore_mem>>)
      %add3A_158 = arith.constant 384 : i32
      %add3A_159 = arith.addi %mul3A_2, %add3A_158 : i32
      %dma_start3A_160 = tpu.memref_slice %arg2[%add3A_159, %mul3A_69] : memref<16384x1024xf32, #tpu.memory_space<hbm>> -> memref<128x128xf32, #tpu.memory_space<hbm>>
      %dma_start3A_161 = tpu.memref_slice %arg2[%add3A_159, %mul3A_69] : memref<16384x1024xf32, #tpu.memory_space<hbm>> -> memref<128x128xf32, #tpu.memory_space<hbm>>
      tpu.enqueue_dma source(%dma_start3A_161 : memref<128x128xf32, #tpu.memory_space<hbm>>) target(%arg7 : memref<128x128xf32, #tpu.memory_space<vmem>>) target_semaphore(%arg11 : memref<!tpu.dma_semaphore, #tpu.memory_space<semaphore_mem>>)
      %add3A_162 = arith.constant 256 : i32
      %add3A_163 = arith.addi %mul3A_2, %add3A_162 : i32
      %dma_wait3A_164 = tpu.memref_slice %arg2[%add3A_163, %mul3A_69] : memref<16384x1024xf32, #tpu.memory_space<hbm>> -> memref<128x128xf32, #tpu.memory_space<hbm>>
      %dma_wait3A_165 = tpu.memref_slice %arg2[%add3A_163, %mul3A_69] : memref<16384x1024xf32, #tpu.memory_space<hbm>> -> memref<128x128xf32, #tpu.memory_space<hbm>>
      tpu.wait_dma2 semaphore(%arg10 : memref<!tpu.dma_semaphore, #tpu.memory_space<semaphore_mem>>) src(%dma_wait3A_165 : memref<128x128xf32, #tpu.memory_space<hbm>>) dst(%arg6 : memref<128x128xf32, #tpu.memory_space<vmem>>)
      %add3A_166 = arith.constant 128 : i32
      %add3A_167 = arith.addi %mul3A_2, %add3A_166 : i32
      %dma_wait3A_168 = arith.constant 0 : i32
      %dma_wait3A_169 = tpu.memref_slice %arg4[%add3A_167, %dma_wait3A_168] : memref<16384x512xi32, #tpu.memory_space<hbm>> -> memref<64x512xi32, #tpu.memory_space<hbm>>
      %dma_wait3A_170 = arith.constant 0 : i32
      %dma_wait3A_171 = tpu.memref_slice %arg4[%add3A_167, %dma_wait3A_170] : memref<16384x512xi32, #tpu.memory_space<hbm>> -> memref<64x512xi32, #tpu.memory_space<hbm>>
      tpu.wait_dma2 semaphore(%arg12 : memref<!tpu.dma_semaphore, #tpu.memory_space<semaphore_mem>>) src(%arg8 : memref<64x512xi32, #tpu.memory_space<vmem>>) dst(%dma_wait3A_171 : memref<64x512xi32, #tpu.memory_space<hbm>>)
      %scan3A_172 = arith.constant 0 : i32
      %scan3A_173 = arith.constant 0 : i32
      %scan3A_174 = arith.constant 32 : i32
      %scan3A_175 = arith.addi %scan3A_173, %scan3A_174 : i32
      %scan3A_176 = arith.constant 1 : i32
      %scan3A_177 = scf.for %scan3A_258 = %scan3A_173 to %scan3A_175 step %scan3A_176 iter_args(%scan3A_259 = %scan3A_172) -> (i32)  : i32 {
        %mul3A_260 = arith.constant 16 : i32
        %mul3A_261 = arith.muli %scan3A_258, %mul3A_260 : i32
        %get3A = arith.index_cast %mul3A_261 : i32 to index
        %get3A_262 = tpu.vector_load %arg5[%get3A] {strides = array<i32>} : memref<512xi32, #tpu.memory_space<vmem>>, vector<16xi32>,
        %sub3A_263 = vector.broadcast %mul3A_69 : i32 to vector<16xi32>
        %sub3A_264 = arith.subi %get3A_262, %sub3A_263 : vector<16xi32>
        %mul3A_265 = arith.constant 16 : i32
        %mul3A_266 = arith.muli %scan3A_258, %mul3A_265 : i32
        %parallel_loop3A = arith.constant 0 : i32
        %parallel_loop3A_267 = arith.constant 64 : i32
        %parallel_loop3A_268 = arith.constant 1 : i32
        scf.for %parallel_loop3A_270 = %parallel_loop3A to %parallel_loop3A_267 step %parallel_loop3A_268  : i32 {
          %parallel_loop3A_271 = arith.constant 0 : i32
          %parallel_loop3A_272 = vector.broadcast %parallel_loop3A_271 : i32 to vector<16xi32>
          %parallel_loop3A_273 = arith.constant 0 : i32
          %parallel_loop3A_274 = arith.addi %parallel_loop3A_273, %parallel_loop3A_270 : i32
          %parallel_loop3A_275 = vector.broadcast %parallel_loop3A_274 : i32 to vector<16xi32>
          %parallel_loop3A_276 = arith.addi %parallel_loop3A_272, %parallel_loop3A_275 : vector<16xi32>
          %parallel_loop3A_277 = tpu.vector_load_idx %arg6[%parallel_loop3A_276, %sub3A_264] : memref<128x128xf32, #tpu.memory_space<vmem>>[vector<16xi32>, vector<16xi32>], vector<16xf32>,
          %parallel_loop3A_278 = arith.fptosi %parallel_loop3A_277 : vector<16xf32> to vector<16xi32>
          %parallel_loop3A_279 = arith.index_cast %parallel_loop3A_270 : i32 to index
          %parallel_loop3A_280 = arith.index_cast %mul3A_266 : i32 to index
          %parallel_loop3A_281 = tpu.vector_load %arg8[%parallel_loop3A_279, %parallel_loop3A_280] {strides = array<i32>} : memref<64x512xi32, #tpu.memory_space<vmem>>, vector<16xi32>,
          tpu.vector_store %arg8[%parallel_loop3A_279, %parallel_loop3A_280], %parallel_loop3A_278 {strides = array<i32>} : memref<64x512xi32, #tpu.memory_space<vmem>>, vector<16xi32>,
        } {sc.loop_unroll_factor = 8 : i64, sc.parallel_access}
        %scan3A_269 = arith.constant 0 : i32
        scf.yield %scan3A_269 : i32
      }
      %scan3A_178 = arith.constant 32 : i32
      %add3A_179 = arith.constant 256 : i32
      %add3A_180 = arith.addi %mul3A_2, %add3A_179 : i32
      %dma_start3A_181 = arith.constant 0 : i32
      %dma_start3A_182 = tpu.memref_slice %arg4[%add3A_180, %dma_start3A_181] : memref<16384x512xi32, #tpu.memory_space<hbm>> -> memref<64x512xi32, #tpu.memory_space<hbm>>
      %dma_start3A_183 = arith.constant 0 : i32
      %dma_start3A_184 = tpu.memref_slice %arg4[%add3A_180, %dma_start3A_183] : memref<16384x512xi32, #tpu.memory_space<hbm>> -> memref<64x512xi32, #tpu.memory_space<hbm>>
      tpu.enqueue_dma source(%arg8 : memref<64x512xi32, #tpu.memory_space<vmem>>) target(%dma_start3A_184 : memref<64x512xi32, #tpu.memory_space<hbm>>) target_semaphore(%arg12 : memref<!tpu.dma_semaphore, #tpu.memory_space<semaphore_mem>>)
      %add3A_185 = arith.constant 192 : i32
      %add3A_186 = arith.addi %mul3A_2, %add3A_185 : i32
      %dma_wait3A_187 = arith.constant 0 : i32
      %dma_wait3A_188 = tpu.memref_slice %arg4[%add3A_186, %dma_wait3A_187] : memref<16384x512xi32, #tpu.memory_space<hbm>> -> memref<64x512xi32, #tpu.memory_space<hbm>>
      %dma_wait3A_189 = arith.constant 0 : i32
      %dma_wait3A_190 = tpu.memref_slice %arg4[%add3A_186, %dma_wait3A_189] : memref<16384x512xi32, #tpu.memory_space<hbm>> -> memref<64x512xi32, #tpu.memory_space<hbm>>
      tpu.wait_dma2 semaphore(%arg13 : memref<!tpu.dma_semaphore, #tpu.memory_space<semaphore_mem>>) src(%arg9 : memref<64x512xi32, #tpu.memory_space<vmem>>) dst(%dma_wait3A_190 : memref<64x512xi32, #tpu.memory_space<hbm>>)
      %scan3A_191 = arith.constant 0 : i32
      %scan3A_192 = arith.constant 0 : i32
      %scan3A_193 = arith.constant 32 : i32
      %scan3A_194 = arith.addi %scan3A_192, %scan3A_193 : i32
      %scan3A_195 = arith.constant 1 : i32
      %scan3A_196 = scf.for %scan3A_258 = %scan3A_192 to %scan3A_194 step %scan3A_195 iter_args(%scan3A_259 = %scan3A_191) -> (i32)  : i32 {
        %mul3A_260 = arith.constant 16 : i32
        %mul3A_261 = arith.muli %scan3A_258, %mul3A_260 : i32
        %get3A = arith.index_cast %mul3A_261 : i32 to index
        %get3A_262 = tpu.vector_load %arg5[%get3A] {strides = array<i32>} : memref<512xi32, #tpu.memory_space<vmem>>, vector<16xi32>,
        %sub3A_263 = vector.broadcast %mul3A_69 : i32 to vector<16xi32>
        %sub3A_264 = arith.subi %get3A_262, %sub3A_263 : vector<16xi32>
        %mul3A_265 = arith.constant 16 : i32
        %mul3A_266 = arith.muli %scan3A_258, %mul3A_265 : i32
        %parallel_loop3A = arith.constant 0 : i32
        %parallel_loop3A_267 = arith.constant 64 : i32
        %parallel_loop3A_268 = arith.constant 1 : i32
        scf.for %parallel_loop3A_270 = %parallel_loop3A to %parallel_loop3A_267 step %parallel_loop3A_268  : i32 {
          %parallel_loop3A_271 = arith.constant 0 : i32
          %parallel_loop3A_272 = vector.broadcast %parallel_loop3A_271 : i32 to vector<16xi32>
          %parallel_loop3A_273 = arith.constant 64 : i32
          %parallel_loop3A_274 = arith.addi %parallel_loop3A_273, %parallel_loop3A_270 : i32
          %parallel_loop3A_275 = vector.broadcast %parallel_loop3A_274 : i32 to vector<16xi32>
          %parallel_loop3A_276 = arith.addi %parallel_loop3A_272, %parallel_loop3A_275 : vector<16xi32>
          %parallel_loop3A_277 = tpu.vector_load_idx %arg6[%parallel_loop3A_276, %sub3A_264] : memref<128x128xf32, #tpu.memory_space<vmem>>[vector<16xi32>, vector<16xi32>], vector<16xf32>,
          %parallel_loop3A_278 = arith.fptosi %parallel_loop3A_277 : vector<16xf32> to vector<16xi32>
          %parallel_loop3A_279 = arith.index_cast %parallel_loop3A_270 : i32 to index
          %parallel_loop3A_280 = arith.index_cast %mul3A_266 : i32 to index
          %parallel_loop3A_281 = tpu.vector_load %arg9[%parallel_loop3A_279, %parallel_loop3A_280] {strides = array<i32>} : memref<64x512xi32, #tpu.memory_space<vmem>>, vector<16xi32>,
          tpu.vector_store %arg9[%parallel_loop3A_279, %parallel_loop3A_280], %parallel_loop3A_278 {strides = array<i32>} : memref<64x512xi32, #tpu.memory_space<vmem>>, vector<16xi32>,
        } {sc.loop_unroll_factor = 8 : i64, sc.parallel_access}
        %scan3A_269 = arith.constant 0 : i32
        scf.yield %scan3A_269 : i32
      }
      %scan3A_197 = arith.constant 32 : i32
      %add3A_198 = arith.constant 320 : i32
      %add3A_199 = arith.addi %mul3A_2, %add3A_198 : i32
      %dma_start3A_200 = arith.constant 0 : i32
      %dma_start3A_201 = tpu.memref_slice %arg4[%add3A_199, %dma_start3A_200] : memref<16384x512xi32, #tpu.memory_space<hbm>> -> memref<64x512xi32, #tpu.memory_space<hbm>>
      %dma_start3A_202 = arith.constant 0 : i32
      %dma_start3A_203 = tpu.memref_slice %arg4[%add3A_199, %dma_start3A_202] : memref<16384x512xi32, #tpu.memory_space<hbm>> -> memref<64x512xi32, #tpu.memory_space<hbm>>
      tpu.enqueue_dma source(%arg9 : memref<64x512xi32, #tpu.memory_space<vmem>>) target(%dma_start3A_203 : memref<64x512xi32, #tpu.memory_space<hbm>>) target_semaphore(%arg13 : memref<!tpu.dma_semaphore, #tpu.memory_space<semaphore_mem>>)
      %add3A_204 = arith.constant 384 : i32
      %add3A_205 = arith.addi %mul3A_2, %add3A_204 : i32
      %dma_wait3A_206 = tpu.memref_slice %arg2[%add3A_205, %mul3A_69] : memref<16384x1024xf32, #tpu.memory_space<hbm>> -> memref<128x128xf32, #tpu.memory_space<hbm>>
      %dma_wait3A_207 = tpu.memref_slice %arg2[%add3A_205, %mul3A_69] : memref<16384x1024xf32, #tpu.memory_space<hbm>> -> memref<128x128xf32, #tpu.memory_space<hbm>>
      tpu.wait_dma2 semaphore(%arg11 : memref<!tpu.dma_semaphore, #tpu.memory_space<semaphore_mem>>) src(%dma_wait3A_207 : memref<128x128xf32, #tpu.memory_space<hbm>>) dst(%arg7 : memref<128x128xf32, #tpu.memory_space<vmem>>)
      %add3A_208 = arith.constant 256 : i32
      %add3A_209 = arith.addi %mul3A_2, %add3A_208 : i32
      %dma_wait3A_210 = arith.constant 0 : i32
      %dma_wait3A_211 = tpu.memref_slice %arg4[%add3A_209, %dma_wait3A_210] : memref<16384x512xi32, #tpu.memory_space<hbm>> -> memref<64x512xi32, #tpu.memory_space<hbm>>
      %dma_wait3A_212 = arith.constant 0 : i32
      %dma_wait3A_213 = tpu.memref_slice %arg4[%add3A_209, %dma_wait3A_212] : memref<16384x512xi32, #tpu.memory_space<hbm>> -> memref<64x512xi32, #tpu.memory_space<hbm>>
      tpu.wait_dma2 semaphore(%arg12 : memref<!tpu.dma_semaphore, #tpu.memory_space<semaphore_mem>>) src(%arg8 : memref<64x512xi32, #tpu.memory_space<vmem>>) dst(%dma_wait3A_213 : memref<64x512xi32, #tpu.memory_space<hbm>>)
      %scan3A_214 = arith.constant 0 : i32
      %scan3A_215 = arith.constant 0 : i32
      %scan3A_216 = arith.constant 32 : i32
      %scan3A_217 = arith.addi %scan3A_215, %scan3A_216 : i32
      %scan3A_218 = arith.constant 1 : i32
      %scan3A_219 = scf.for %scan3A_258 = %scan3A_215 to %scan3A_217 step %scan3A_218 iter_args(%scan3A_259 = %scan3A_214) -> (i32)  : i32 {
        %mul3A_260 = arith.constant 16 : i32
        %mul3A_261 = arith.muli %scan3A_258, %mul3A_260 : i32
        %get3A = arith.index_cast %mul3A_261 : i32 to index
        %get3A_262 = tpu.vector_load %arg5[%get3A] {strides = array<i32>} : memref<512xi32, #tpu.memory_space<vmem>>, vector<16xi32>,
        %sub3A_263 = vector.broadcast %mul3A_69 : i32 to vector<16xi32>
        %sub3A_264 = arith.subi %get3A_262, %sub3A_263 : vector<16xi32>
        %mul3A_265 = arith.constant 16 : i32
        %mul3A_266 = arith.muli %scan3A_258, %mul3A_265 : i32
        %parallel_loop3A = arith.constant 0 : i32
        %parallel_loop3A_267 = arith.constant 64 : i32
        %parallel_loop3A_268 = arith.constant 1 : i32
        scf.for %parallel_loop3A_270 = %parallel_loop3A to %parallel_loop3A_267 step %parallel_loop3A_268  : i32 {
          %parallel_loop3A_271 = arith.constant 0 : i32
          %parallel_loop3A_272 = vector.broadcast %parallel_loop3A_271 : i32 to vector<16xi32>
          %parallel_loop3A_273 = arith.constant 0 : i32
          %parallel_loop3A_274 = arith.addi %parallel_loop3A_273, %parallel_loop3A_270 : i32
          %parallel_loop3A_275 = vector.broadcast %parallel_loop3A_274 : i32 to vector<16xi32>
          %parallel_loop3A_276 = arith.addi %parallel_loop3A_272, %parallel_loop3A_275 : vector<16xi32>
          %parallel_loop3A_277 = tpu.vector_load_idx %arg7[%parallel_loop3A_276, %sub3A_264] : memref<128x128xf32, #tpu.memory_space<vmem>>[vector<16xi32>, vector<16xi32>], vector<16xf32>,
          %parallel_loop3A_278 = arith.fptosi %parallel_loop3A_277 : vector<16xf32> to vector<16xi32>
          %parallel_loop3A_279 = arith.index_cast %parallel_loop3A_270 : i32 to index
          %parallel_loop3A_280 = arith.index_cast %mul3A_266 : i32 to index
          %parallel_loop3A_281 = tpu.vector_load %arg8[%parallel_loop3A_279, %parallel_loop3A_280] {strides = array<i32>} : memref<64x512xi32, #tpu.memory_space<vmem>>, vector<16xi32>,
          tpu.vector_store %arg8[%parallel_loop3A_279, %parallel_loop3A_280], %parallel_loop3A_278 {strides = array<i32>} : memref<64x512xi32, #tpu.memory_space<vmem>>, vector<16xi32>,
        } {sc.loop_unroll_factor = 8 : i64, sc.parallel_access}
        %scan3A_269 = arith.constant 0 : i32
        scf.yield %scan3A_269 : i32
      }
      %scan3A_220 = arith.constant 32 : i32
      %add3A_221 = arith.constant 384 : i32
      %add3A_222 = arith.addi %mul3A_2, %add3A_221 : i32
      %dma_start3A_223 = arith.constant 0 : i32
      %dma_start3A_224 = tpu.memref_slice %arg4[%add3A_222, %dma_start3A_223] : memref<16384x512xi32, #tpu.memory_space<hbm>> -> memref<64x512xi32, #tpu.memory_space<hbm>>
      %dma_start3A_225 = arith.constant 0 : i32
      %dma_start3A_226 = tpu.memref_slice %arg4[%add3A_222, %dma_start3A_225] : memref<16384x512xi32, #tpu.memory_space<hbm>> -> memref<64x512xi32, #tpu.memory_space<hbm>>
      tpu.enqueue_dma source(%arg8 : memref<64x512xi32, #tpu.memory_space<vmem>>) target(%dma_start3A_226 : memref<64x512xi32, #tpu.memory_space<hbm>>) target_semaphore(%arg12 : memref<!tpu.dma_semaphore, #tpu.memory_space<semaphore_mem>>)
      %add3A_227 = arith.constant 320 : i32
      %add3A_228 = arith.addi %mul3A_2, %add3A_227 : i32
      %dma_wait3A_229 = arith.constant 0 : i32
      %dma_wait3A_230 = tpu.memref_slice %arg4[%add3A_228, %dma_wait3A_229] : memref<16384x512xi32, #tpu.memory_space<hbm>> -> memref<64x512xi32, #tpu.memory_space<hbm>>
      %dma_wait3A_231 = arith.constant 0 : i32
      %dma_wait3A_232 = tpu.memref_slice %arg4[%add3A_228, %dma_wait3A_231] : memref<16384x512xi32, #tpu.memory_space<hbm>> -> memref<64x512xi32, #tpu.memory_space<hbm>>
      tpu.wait_dma2 semaphore(%arg13 : memref<!tpu.dma_semaphore, #tpu.memory_space<semaphore_mem>>) src(%arg9 : memref<64x512xi32, #tpu.memory_space<vmem>>) dst(%dma_wait3A_232 : memref<64x512xi32, #tpu.memory_space<hbm>>)
      %scan3A_233 = arith.constant 0 : i32
      %scan3A_234 = arith.constant 0 : i32
      %scan3A_235 = arith.constant 32 : i32
      %scan3A_236 = arith.addi %scan3A_234, %scan3A_235 : i32
      %scan3A_237 = arith.constant 1 : i32
      %scan3A_238 = scf.for %scan3A_258 = %scan3A_234 to %scan3A_236 step %scan3A_237 iter_args(%scan3A_259 = %scan3A_233) -> (i32)  : i32 {
        %mul3A_260 = arith.constant 16 : i32
        %mul3A_261 = arith.muli %scan3A_258, %mul3A_260 : i32
        %get3A = arith.index_cast %mul3A_261 : i32 to index
        %get3A_262 = tpu.vector_load %arg5[%get3A] {strides = array<i32>} : memref<512xi32, #tpu.memory_space<vmem>>, vector<16xi32>,
        %sub3A_263 = vector.broadcast %mul3A_69 : i32 to vector<16xi32>
        %sub3A_264 = arith.subi %get3A_262, %sub3A_263 : vector<16xi32>
        %mul3A_265 = arith.constant 16 : i32
        %mul3A_266 = arith.muli %scan3A_258, %mul3A_265 : i32
        %parallel_loop3A = arith.constant 0 : i32
        %parallel_loop3A_267 = arith.constant 64 : i32
        %parallel_loop3A_268 = arith.constant 1 : i32
        scf.for %parallel_loop3A_270 = %parallel_loop3A to %parallel_loop3A_267 step %parallel_loop3A_268  : i32 {
          %parallel_loop3A_271 = arith.constant 0 : i32
          %parallel_loop3A_272 = vector.broadcast %parallel_loop3A_271 : i32 to vector<16xi32>
          %parallel_loop3A_273 = arith.constant 64 : i32
          %parallel_loop3A_274 = arith.addi %parallel_loop3A_273, %parallel_loop3A_270 : i32
          %parallel_loop3A_275 = vector.broadcast %parallel_loop3A_274 : i32 to vector<16xi32>
          %parallel_loop3A_276 = arith.addi %parallel_loop3A_272, %parallel_loop3A_275 : vector<16xi32>
          %parallel_loop3A_277 = tpu.vector_load_idx %arg7[%parallel_loop3A_276, %sub3A_264] : memref<128x128xf32, #tpu.memory_space<vmem>>[vector<16xi32>, vector<16xi32>], vector<16xf32>,
          %parallel_loop3A_278 = arith.fptosi %parallel_loop3A_277 : vector<16xf32> to vector<16xi32>
          %parallel_loop3A_279 = arith.index_cast %parallel_loop3A_270 : i32 to index
          %parallel_loop3A_280 = arith.index_cast %mul3A_266 : i32 to index
          %parallel_loop3A_281 = tpu.vector_load %arg9[%parallel_loop3A_279, %parallel_loop3A_280] {strides = array<i32>} : memref<64x512xi32, #tpu.memory_space<vmem>>, vector<16xi32>,
          tpu.vector_store %arg9[%parallel_loop3A_279, %parallel_loop3A_280], %parallel_loop3A_278 {strides = array<i32>} : memref<64x512xi32, #tpu.memory_space<vmem>>, vector<16xi32>,
        } {sc.loop_unroll_factor = 8 : i64, sc.parallel_access}
        %scan3A_269 = arith.constant 0 : i32
        scf.yield %scan3A_269 : i32
      }
      %scan3A_239 = arith.constant 32 : i32
      %add3A_240 = arith.constant 448 : i32
      %add3A_241 = arith.addi %mul3A_2, %add3A_240 : i32
      %dma_start3A_242 = arith.constant 0 : i32
      %dma_start3A_243 = tpu.memref_slice %arg4[%add3A_241, %dma_start3A_242] : memref<16384x512xi32, #tpu.memory_space<hbm>> -> memref<64x512xi32, #tpu.memory_space<hbm>>
      %dma_start3A_244 = arith.constant 0 : i32
      %dma_start3A_245 = tpu.memref_slice %arg4[%add3A_241, %dma_start3A_244] : memref<16384x512xi32, #tpu.memory_space<hbm>> -> memref<64x512xi32, #tpu.memory_space<hbm>>
      tpu.enqueue_dma source(%arg9 : memref<64x512xi32, #tpu.memory_space<vmem>>) target(%dma_start3A_245 : memref<64x512xi32, #tpu.memory_space<hbm>>) target_semaphore(%arg13 : memref<!tpu.dma_semaphore, #tpu.memory_space<semaphore_mem>>)
      %add3A_246 = arith.constant 384 : i32
      %add3A_247 = arith.addi %mul3A_2, %add3A_246 : i32
      %dma_wait3A_248 = arith.constant 0 : i32
      %dma_wait3A_249 = tpu.memref_slice %arg4[%add3A_247, %dma_wait3A_248] : memref<16384x512xi32, #tpu.memory_space<hbm>> -> memref<64x512xi32, #tpu.memory_space<hbm>>
      %dma_wait3A_250 = arith.constant 0 : i32
      %dma_wait3A_251 = tpu.memref_slice %arg4[%add3A_247, %dma_wait3A_250] : memref<16384x512xi32, #tpu.memory_space<hbm>> -> memref<64x512xi32, #tpu.memory_space<hbm>>
      tpu.wait_dma2 semaphore(%arg12 : memref<!tpu.dma_semaphore, #tpu.memory_space<semaphore_mem>>) src(%arg8 : memref<64x512xi32, #tpu.memory_space<vmem>>) dst(%dma_wait3A_251 : memref<64x512xi32, #tpu.memory_space<hbm>>)
      %add3A_252 = arith.constant 448 : i32
      %add3A_253 = arith.addi %mul3A_2, %add3A_252 : i32
      %dma_wait3A_254 = arith.constant 0 : i32
      %dma_wait3A_255 = tpu.memref_slice %arg4[%add3A_253, %dma_wait3A_254] : memref<16384x512xi32, #tpu.memory_space<hbm>> -> memref<64x512xi32, #tpu.memory_space<hbm>>
      %dma_wait3A_256 = arith.constant 0 : i32
      %dma_wait3A_257 = tpu.memref_slice %arg4[%add3A_253, %dma_wait3A_256] : memref<16384x512xi32, #tpu.memory_space<hbm>> -> memref<64x512xi32, #tpu.memory_space<hbm>>
      tpu.wait_dma2 semaphore(%arg13 : memref<!tpu.dma_semaphore, #tpu.memory_space<semaphore_mem>>) src(%arg9 : memref<64x512xi32, #tpu.memory_space<vmem>>) dst(%dma_wait3A_257 : memref<64x512xi32, #tpu.memory_space<hbm>>)
    } else {
    }
    %gt3A = arith.constant 1 : i32
    %gt3A_72 = arith.cmpi sgt, %add3A_67, %gt3A : i32
    %convert_element_type3A_73 = arith.extui %gt3A_72 : i1 to i32
    %cond3A_74 = arith.constant 0 : i32
    %cond3A_75 = arith.cmpi ne, %convert_element_type3A_73, %cond3A_74 : i32
    scf.if %cond3A_75 {
      %scan3A_76 = arith.constant 0 : i32
      %scan3A_77 = arith.constant 0 : i32
      %scan3A_78 = arith.constant 8 : i32
      %scan3A_79 = arith.addi %scan3A_77, %scan3A_78 : i32
      %scan3A_80 = arith.constant 1 : i32
      %scan3A_81 = scf.for %scan3A_83 = %scan3A_77 to %scan3A_79 step %scan3A_80 iter_args(%scan3A_84 = %scan3A_76) -> (i32)  : i32 {
        %mul3A_85 = arith.constant 64 : i32
        %mul3A_86 = arith.muli %scan3A_83, %mul3A_85 : i32
        %add3A_87 = arith.addi %mul3A_2, %mul3A_86 : i32
        %while3A = arith.constant 0 : i32
        %while3A_88 = arith.constant 0 : i32
        %while3A_89 = arith.subi %add3A_67, %while3A : i32
        %while3A_90 = arith.addi %while3A, %while3A_89 : i32
        %while3A_91 = arith.constant 1 : i32
        %while3A_92 = arith.divsi %while3A_89, %while3A_91 : i32
        %while3A_93 = arith.muli %while3A_92, %while3A_91 : i32
        %while3A_94 = arith.addi %while3A, %while3A_93 : i32
        %while3A_95 = arith.constant 1 : i32
        %while3A_96 = scf.for %while3A_100 = %while3A to %while3A_94 step %while3A_95 iter_args(%while3A_101 = %while3A_88) -> (i32)  : i32 {
          %mul3A_102 = arith.constant 128 : i32
          %mul3A_103 = arith.muli %while3A_100, %mul3A_102 : i32
          %add3A_104 = arith.addi %mul3A_69, %mul3A_103 : i32
          "tpu.region"() ({
            %run_scoped3A = tpu.sem_alloc : memref<!tpu.dma_semaphore, #tpu.memory_space<semaphore_mem>>
            %dma_start3A = arith.constant 0 : i32
            %dma_start3A_116 = arith.constant 0 : i32
            %dma_start3A_117 = tpu.memref_slice %arg6[%dma_start3A, %dma_start3A_116] : memref<128x128xf32, #tpu.memory_space<vmem>> -> memref<64x128xf32, #tpu.memory_space<vmem>>
            %dma_start3A_118 = tpu.memref_slice %arg2[%add3A_87, %add3A_104] : memref<16384x1024xf32, #tpu.memory_space<hbm>> -> memref<64x128xf32, #tpu.memory_space<hbm>>
            %dma_start3A_119 = arith.constant 0 : i32
            %dma_start3A_120 = arith.constant 0 : i32
            %dma_start3A_121 = tpu.memref_slice %arg6[%dma_start3A_119, %dma_start3A_120] : memref<128x128xf32, #tpu.memory_space<vmem>> -> memref<64x128xf32, #tpu.memory_space<vmem>>
            %dma_start3A_122 = tpu.memref_slice %arg2[%add3A_87, %add3A_104] : memref<16384x1024xf32, #tpu.memory_space<hbm>> -> memref<64x128xf32, #tpu.memory_space<hbm>>
            tpu.enqueue_dma source(%dma_start3A_122 : memref<64x128xf32, #tpu.memory_space<hbm>>) target(%dma_start3A_121 : memref<64x128xf32, #tpu.memory_space<vmem>>) target_semaphore(%run_scoped3A : memref<!tpu.dma_semaphore, #tpu.memory_space<semaphore_mem>>)
            %dma_wait3A = arith.constant 0 : i32
            %dma_wait3A_123 = arith.constant 0 : i32
            %dma_wait3A_124 = tpu.memref_slice %arg6[%dma_wait3A, %dma_wait3A_123] : memref<128x128xf32, #tpu.memory_space<vmem>> -> memref<64x128xf32, #tpu.memory_space<vmem>>
            %dma_wait3A_125 = tpu.memref_slice %arg2[%add3A_87, %add3A_104] : memref<16384x1024xf32, #tpu.memory_space<hbm>> -> memref<64x128xf32, #tpu.memory_space<hbm>>
            %dma_wait3A_126 = arith.constant 0 : i32
            %dma_wait3A_127 = arith.constant 0 : i32
            %dma_wait3A_128 = tpu.memref_slice %arg6[%dma_wait3A_126, %dma_wait3A_127] : memref<128x128xf32, #tpu.memory_space<vmem>> -> memref<64x128xf32, #tpu.memory_space<vmem>>
            %dma_wait3A_129 = tpu.memref_slice %arg2[%add3A_87, %add3A_104] : memref<16384x1024xf32, #tpu.memory_space<hbm>> -> memref<64x128xf32, #tpu.memory_space<hbm>>
            tpu.wait_dma2 semaphore(%run_scoped3A : memref<!tpu.dma_semaphore, #tpu.memory_space<semaphore_mem>>) src(%dma_wait3A_129 : memref<64x128xf32, #tpu.memory_space<hbm>>) dst(%dma_wait3A_128 : memref<64x128xf32, #tpu.memory_space<vmem>>)
            tpu.yield
          }) : () -> ()
          %mul3A_105 = arith.constant 128 : i32
          %mul3A_106 = arith.muli %while3A_100, %mul3A_105 : i32
          %add3A_107 = arith.addi %mul3A_69, %mul3A_106 : i32
          %scan3A_108 = arith.constant 0 : i32
          %scan3A_109 = arith.constant 0 : i32
          %scan3A_110 = arith.constant 32 : i32
          %scan3A_111 = arith.addi %scan3A_109, %scan3A_110 : i32
          %scan3A_112 = arith.constant 1 : i32
          %scan3A_113 = scf.for %scan3A_116 = %scan3A_109 to %scan3A_111 step %scan3A_112 iter_args(%scan3A_117 = %scan3A_108) -> (i32)  : i32 {
            %mul3A_118 = arith.constant 16 : i32
            %mul3A_119 = arith.muli %scan3A_116, %mul3A_118 : i32
            %get3A = arith.index_cast %mul3A_119 : i32 to index
            %get3A_120 = tpu.vector_load %arg5[%get3A] {strides = array<i32>} : memref<512xi32, #tpu.memory_space<vmem>>, vector<16xi32>,
            %sub3A_121 = vector.broadcast %add3A_107 : i32 to vector<16xi32>
            %sub3A_122 = arith.subi %get3A_120, %sub3A_121 : vector<16xi32>
            %ge3A = arith.constant 0 : i32
            %ge3A_123 = vector.broadcast %ge3A : i32 to vector<16xi32>
            %ge3A_124 = arith.cmpi sge, %sub3A_122, %ge3A_123 : vector<16xi32>
            %lt3A = arith.constant 128 : i32
            %lt3A_125 = vector.broadcast %lt3A : i32 to vector<16xi32>
            %lt3A_126 = arith.cmpi slt, %sub3A_122, %lt3A_125 : vector<16xi32>
            %and3A_127 = arith.andi %ge3A_124, %lt3A_126 : vector<16xi1>
            %jit3A_128 = arith.constant 0 : i32
            %jit3A_129 = arith.constant 127 : i32
            %max3A = vector.broadcast %jit3A_128 : i32 to vector<16xi32>
            %max3A_130 = arith.maxsi %max3A, %sub3A_122 : vector<16xi32>
            %min3A = vector.broadcast %jit3A_129 : i32 to vector<16xi32>
            %min3A_131 = arith.minsi %min3A, %max3A_130 : vector<16xi32>
            %mul3A_132 = arith.constant 16 : i32
            %mul3A_133 = arith.muli %scan3A_116, %mul3A_132 : i32
            %parallel_loop3A = arith.constant 0 : i32
            %parallel_loop3A_134 = arith.constant 64 : i32
            %parallel_loop3A_135 = arith.constant 1 : i32
            scf.for %parallel_loop3A_137 = %parallel_loop3A to %parallel_loop3A_134 step %parallel_loop3A_135  : i32 {
              %parallel_loop3A_138 = arith.constant 0 : i32
              %parallel_loop3A_139 = vector.broadcast %parallel_loop3A_138 : i32 to vector<16xi32>
              %parallel_loop3A_140 = vector.broadcast %parallel_loop3A_137 : i32 to vector<16xi32>
              %parallel_loop3A_141 = arith.addi %parallel_loop3A_139, %parallel_loop3A_140 : vector<16xi32>
              %parallel_loop3A_142 = tpu.vector_load_idx %arg6[%parallel_loop3A_141, %min3A_131] : memref<128x128xf32, #tpu.memory_space<vmem>>[vector<16xi32>, vector<16xi32>], vector<16xf32>,
              %parallel_loop3A_143 = arith.index_cast %parallel_loop3A_137 : i32 to index
              %parallel_loop3A_144 = arith.index_cast %mul3A_133 : i32 to index
              %parallel_loop3A_145 = tpu.vector_load %arg8[%parallel_loop3A_143, %parallel_loop3A_144] {strides = array<i32>} : memref<64x512xi32, #tpu.memory_space<vmem>>, vector<16xi32>,
              %parallel_loop3A_146 = arith.fptosi %parallel_loop3A_142 : vector<16xf32> to vector<16xi32>
              %parallel_loop3A_147 = arith.select %and3A_127, %parallel_loop3A_146, %parallel_loop3A_145 : vector<16xi1>, vector<16xi32>
              %parallel_loop3A_148 = arith.index_cast %parallel_loop3A_137 : i32 to index
              %parallel_loop3A_149 = arith.index_cast %mul3A_133 : i32 to index
              %parallel_loop3A_150 = tpu.vector_load %arg8[%parallel_loop3A_148, %parallel_loop3A_149] {strides = array<i32>} : memref<64x512xi32, #tpu.memory_space<vmem>>, vector<16xi32>,
              tpu.vector_store %arg8[%parallel_loop3A_148, %parallel_loop3A_149], %parallel_loop3A_147 {strides = array<i32>} : memref<64x512xi32, #tpu.memory_space<vmem>>, vector<16xi32>,
            } {sc.loop_unroll_factor = 8 : i64, sc.parallel_access}
            %scan3A_136 = arith.constant 0 : i32
            scf.yield %scan3A_136 : i32
          }
          %scan3A_114 = arith.constant 32 : i32
          %while3A_115 = arith.constant 0 : i32
          scf.yield %while3A_115 : i32
        }
        %while3A_97 = arith.constant 1 : i32
        %while3A_98 = scf.for %while3A_100 = %while3A_94 to %while3A_90 step %while3A_97 iter_args(%while3A_101 = %while3A_96) -> (i32)  : i32 {
          %mul3A_102 = arith.constant 128 : i32
          %mul3A_103 = arith.muli %while3A_100, %mul3A_102 : i32
          %add3A_104 = arith.addi %mul3A_69, %mul3A_103 : i32
          "tpu.region"() ({
            %run_scoped3A = tpu.sem_alloc : memref<!tpu.dma_semaphore, #tpu.memory_space<semaphore_mem>>
            %dma_start3A = arith.constant 0 : i32
            %dma_start3A_116 = arith.constant 0 : i32
            %dma_start3A_117 = tpu.memref_slice %arg6[%dma_start3A, %dma_start3A_116] : memref<128x128xf32, #tpu.memory_space<vmem>> -> memref<64x128xf32, #tpu.memory_space<vmem>>
            %dma_start3A_118 = tpu.memref_slice %arg2[%add3A_87, %add3A_104] : memref<16384x1024xf32, #tpu.memory_space<hbm>> -> memref<64x128xf32, #tpu.memory_space<hbm>>
            %dma_start3A_119 = arith.constant 0 : i32
            %dma_start3A_120 = arith.constant 0 : i32
            %dma_start3A_121 = tpu.memref_slice %arg6[%dma_start3A_119, %dma_start3A_120] : memref<128x128xf32, #tpu.memory_space<vmem>> -> memref<64x128xf32, #tpu.memory_space<vmem>>
            %dma_start3A_122 = tpu.memref_slice %arg2[%add3A_87, %add3A_104] : memref<16384x1024xf32, #tpu.memory_space<hbm>> -> memref<64x128xf32, #tpu.memory_space<hbm>>
            tpu.enqueue_dma source(%dma_start3A_122 : memref<64x128xf32, #tpu.memory_space<hbm>>) target(%dma_start3A_121 : memref<64x128xf32, #tpu.memory_space<vmem>>) target_semaphore(%run_scoped3A : memref<!tpu.dma_semaphore, #tpu.memory_space<semaphore_mem>>)
            %dma_wait3A = arith.constant 0 : i32
            %dma_wait3A_123 = arith.constant 0 : i32
            %dma_wait3A_124 = tpu.memref_slice %arg6[%dma_wait3A, %dma_wait3A_123] : memref<128x128xf32, #tpu.memory_space<vmem>> -> memref<64x128xf32, #tpu.memory_space<vmem>>
            %dma_wait3A_125 = tpu.memref_slice %arg2[%add3A_87, %add3A_104] : memref<16384x1024xf32, #tpu.memory_space<hbm>> -> memref<64x128xf32, #tpu.memory_space<hbm>>
            %dma_wait3A_126 = arith.constant 0 : i32
            %dma_wait3A_127 = arith.constant 0 : i32
            %dma_wait3A_128 = tpu.memref_slice %arg6[%dma_wait3A_126, %dma_wait3A_127] : memref<128x128xf32, #tpu.memory_space<vmem>> -> memref<64x128xf32, #tpu.memory_space<vmem>>
            %dma_wait3A_129 = tpu.memref_slice %arg2[%add3A_87, %add3A_104] : memref<16384x1024xf32, #tpu.memory_space<hbm>> -> memref<64x128xf32, #tpu.memory_space<hbm>>
            tpu.wait_dma2 semaphore(%run_scoped3A : memref<!tpu.dma_semaphore, #tpu.memory_space<semaphore_mem>>) src(%dma_wait3A_129 : memref<64x128xf32, #tpu.memory_space<hbm>>) dst(%dma_wait3A_128 : memref<64x128xf32, #tpu.memory_space<vmem>>)
            tpu.yield
          }) : () -> ()
          %mul3A_105 = arith.constant 128 : i32
          %mul3A_106 = arith.muli %while3A_100, %mul3A_105 : i32
          %add3A_107 = arith.addi %mul3A_69, %mul3A_106 : i32
          %scan3A_108 = arith.constant 0 : i32
          %scan3A_109 = arith.constant 0 : i32
          %scan3A_110 = arith.constant 32 : i32
          %scan3A_111 = arith.addi %scan3A_109, %scan3A_110 : i32
          %scan3A_112 = arith.constant 1 : i32
          %scan3A_113 = scf.for %scan3A_116 = %scan3A_109 to %scan3A_111 step %scan3A_112 iter_args(%scan3A_117 = %scan3A_108) -> (i32)  : i32 {
            %mul3A_118 = arith.constant 16 : i32
            %mul3A_119 = arith.muli %scan3A_116, %mul3A_118 : i32
            %get3A = arith.index_cast %mul3A_119 : i32 to index
            %get3A_120 = tpu.vector_load %arg5[%get3A] {strides = array<i32>} : memref<512xi32, #tpu.memory_space<vmem>>, vector<16xi32>,
            %sub3A_121 = vector.broadcast %add3A_107 : i32 to vector<16xi32>
            %sub3A_122 = arith.subi %get3A_120, %sub3A_121 : vector<16xi32>
            %ge3A = arith.constant 0 : i32
            %ge3A_123 = vector.broadcast %ge3A : i32 to vector<16xi32>
            %ge3A_124 = arith.cmpi sge, %sub3A_122, %ge3A_123 : vector<16xi32>
            %lt3A = arith.constant 128 : i32
            %lt3A_125 = vector.broadcast %lt3A : i32 to vector<16xi32>
            %lt3A_126 = arith.cmpi slt, %sub3A_122, %lt3A_125 : vector<16xi32>
            %and3A_127 = arith.andi %ge3A_124, %lt3A_126 : vector<16xi1>
            %jit3A_128 = arith.constant 0 : i32
            %jit3A_129 = arith.constant 127 : i32
            %max3A = vector.broadcast %jit3A_128 : i32 to vector<16xi32>
            %max3A_130 = arith.maxsi %max3A, %sub3A_122 : vector<16xi32>
            %min3A = vector.broadcast %jit3A_129 : i32 to vector<16xi32>
            %min3A_131 = arith.minsi %min3A, %max3A_130 : vector<16xi32>
            %mul3A_132 = arith.constant 16 : i32
            %mul3A_133 = arith.muli %scan3A_116, %mul3A_132 : i32
            %parallel_loop3A = arith.constant 0 : i32
            %parallel_loop3A_134 = arith.constant 64 : i32
            %parallel_loop3A_135 = arith.constant 1 : i32
            scf.for %parallel_loop3A_137 = %parallel_loop3A to %parallel_loop3A_134 step %parallel_loop3A_135  : i32 {
              %parallel_loop3A_138 = arith.constant 0 : i32
              %parallel_loop3A_139 = vector.broadcast %parallel_loop3A_138 : i32 to vector<16xi32>
              %parallel_loop3A_140 = vector.broadcast %parallel_loop3A_137 : i32 to vector<16xi32>
              %parallel_loop3A_141 = arith.addi %parallel_loop3A_139, %parallel_loop3A_140 : vector<16xi32>
              %parallel_loop3A_142 = tpu.vector_load_idx %arg6[%parallel_loop3A_141, %min3A_131] : memref<128x128xf32, #tpu.memory_space<vmem>>[vector<16xi32>, vector<16xi32>], vector<16xf32>,
              %parallel_loop3A_143 = arith.index_cast %parallel_loop3A_137 : i32 to index
              %parallel_loop3A_144 = arith.index_cast %mul3A_133 : i32 to index
              %parallel_loop3A_145 = tpu.vector_load %arg8[%parallel_loop3A_143, %parallel_loop3A_144] {strides = array<i32>} : memref<64x512xi32, #tpu.memory_space<vmem>>, vector<16xi32>,
              %parallel_loop3A_146 = arith.fptosi %parallel_loop3A_142 : vector<16xf32> to vector<16xi32>
              %parallel_loop3A_147 = arith.select %and3A_127, %parallel_loop3A_146, %parallel_loop3A_145 : vector<16xi1>, vector<16xi32>
              %parallel_loop3A_148 = arith.index_cast %parallel_loop3A_137 : i32 to index
              %parallel_loop3A_149 = arith.index_cast %mul3A_133 : i32 to index
              %parallel_loop3A_150 = tpu.vector_load %arg8[%parallel_loop3A_148, %parallel_loop3A_149] {strides = array<i32>} : memref<64x512xi32, #tpu.memory_space<vmem>>, vector<16xi32>,
              tpu.vector_store %arg8[%parallel_loop3A_148, %parallel_loop3A_149], %parallel_loop3A_147 {strides = array<i32>} : memref<64x512xi32, #tpu.memory_space<vmem>>, vector<16xi32>,
            } {sc.loop_unroll_factor = 8 : i64, sc.parallel_access}
            %scan3A_136 = arith.constant 0 : i32
            scf.yield %scan3A_136 : i32
          }
          %scan3A_114 = arith.constant 32 : i32
          %while3A_115 = arith.constant 0 : i32
          scf.yield %while3A_115 : i32
        }
        "tpu.region"() ({
          %run_scoped3A = tpu.sem_alloc : memref<!tpu.dma_semaphore, #tpu.memory_space<semaphore_mem>>
          %dma_start3A = arith.constant 0 : i32
          %dma_start3A_100 = tpu.memref_slice %arg4[%add3A_87, %dma_start3A] : memref<16384x512xi32, #tpu.memory_space<hbm>> -> memref<64x512xi32, #tpu.memory_space<hbm>>
          %dma_start3A_101 = arith.constant 0 : i32
          %dma_start3A_102 = tpu.memref_slice %arg4[%add3A_87, %dma_start3A_101] : memref<16384x512xi32, #tpu.memory_space<hbm>> -> memref<64x512xi32, #tpu.memory_space<hbm>>
          tpu.enqueue_dma source(%arg8 : memref<64x512xi32, #tpu.memory_space<vmem>>) target(%dma_start3A_102 : memref<64x512xi32, #tpu.memory_space<hbm>>) target_semaphore(%run_scoped3A : memref<!tpu.dma_semaphore, #tpu.memory_space<semaphore_mem>>)
          %dma_wait3A = arith.constant 0 : i32
          %dma_wait3A_103 = tpu.memref_slice %arg4[%add3A_87, %dma_wait3A] : memref<16384x512xi32, #tpu.memory_space<hbm>> -> memref<64x512xi32, #tpu.memory_space<hbm>>
          %dma_wait3A_104 = arith.constant 0 : i32
          %dma_wait3A_105 = tpu.memref_slice %arg4[%add3A_87, %dma_wait3A_104] : memref<16384x512xi32, #tpu.memory_space<hbm>> -> memref<64x512xi32, #tpu.memory_space<hbm>>
          tpu.wait_dma2 semaphore(%run_scoped3A : memref<!tpu.dma_semaphore, #tpu.memory_space<semaphore_mem>>) src(%arg8 : memref<64x512xi32, #tpu.memory_space<vmem>>) dst(%dma_wait3A_105 : memref<64x512xi32, #tpu.memory_space<hbm>>)
          tpu.yield
        }) : () -> ()
        %scan3A_99 = arith.constant 0 : i32
        scf.yield %scan3A_99 : i32
      }
      %scan3A_82 = arith.constant 8 : i32
    } else {
    }
    return
  }
}

</mosaic_0001>

<sc_bundles>
// kernel: _gather.3.cloned.1.call-start
scs
__scs_entry_jumppad:
0x0: {  	(pc) =	sbr.rel $0x88, $3  }
0x1: {  	(tag) =	ssettag $0x0;
	lr =	simm.s32 $0x1  }
0x2: {  	[smem:$0x3F9F] =	sst lr;
	_ =	strace $0xD0000000  }
0x3: {  	_ = 	snop  }
0x4: {  	_ = 	snop  }
0x5: {  	_ = 	snop  }
0x6: {  	_ = 	snop  }
0x7: {  	_ = 	snop  }
__scs_overlays_trampoline_lowered:
0x8: {  	[smem:$0x3FAE] =	sst s0  }
0x9: {  	[smem:$0x3FAF] =	sst s1  }
0xa: {  	[smem:$0x3FB0] =	sst s2  }
0xb: {  	[smem:$0x3FB1] =	sst s3  }
0xc: {  	[smem:$0x3FB2] =	sst s4  }
0xd: {  	[smem:$0x3FB3] =	sst s5  }
0xe: {  	[smem:$0x3FB4] =	sst s6  }
0xf: {  	[smem:$0x3FB5] =	sst s7  }
0x10: {  	[smem:$0x3FB6] =	sst s8  }
0x11: {  	[smem:$0x3FB7] =	sst s9;
	s0 =	simm.s32 @!p0 $0x0  }
0x12: {  	s1 =	sld [smem:$0x3F9D];
	s0 =	simm.s32 @p0 $0x1  }
0x13: {  	[smem:$0x3FB8] =	sst s0;
	s0 =	simm.s32 @!p1 $0x0  }
0x14: {  	s2 =	sld [smem:$0x3F9C];
	s0 =	simm.s32 @p1 $0x1  }
0x15: {  	[smem:$0x3FB9] =	sst s0;
	s0 =	simm.s32 @!p2 $0x0  }
0x16: {  	s3 =	sld [smem:$0x3FDB];
	s0 =	simm.s32 @p2 $0x1  }
0x17: {  	s4 =	simm.s32 $0x1BF5;
	[smem:$0x3FBB] =	sst s0  }
0x18: {  	s0 =	sld [smem:$0x3F9E];
	_ =	swait.ge [sflag:s4], $0x0  }
0x19: {  	s7 =	sld [smem:$0x3F9F]  }
0x1a: {  	s8 =	sadd.s32 $0xFFFFE003, lr  }
0x1b: {  	s9 =	sadd.s32 $0xFFFFFEF7, lr;
	s5 =	simm.s32 $0xFFFFFFFF;
	p2 =	slt.u32 s8, $0xFFFFF086  }
0x1c: {  	p1 =	slt.u32 s9, $0xF7A;
	s5 =	simm.s32 @!p2 $0x0  }
0x1d: {  	s5 =	simm.s32 @p1 $0x1;
	p0 =	seq.s32 s7, s2  }
0x1e: {  	s7 =	smul.u32 @!p0 $0xF7A, s2;
	p2 =	seq.s32 @!p0 s5, $0x0  }
0x1f: {  	s9 =	smul.u32 $0xF7A, s1;
	s8 =	simm.s32 @!p0 $0x1BF5;
	p2 =	por !p2, p0  }
0x20: {  	[sflag:s8] =	ssyncset.s32 @!p0 $0xFFFFF086;
	s6 =	sadd.s32 @!p0 s3, s7;
	s7 =	simm.s32 @!p0 $0x108  }
0x21: {  	s3 =	sadd.s32 s3, s9;
	s6 =	sadd.s32 @!p0 $0x88, s6;
	s7 =	simm.s32 @p2 $0x1082  }
0x22: {  	[simem:s7], [sflag:s8] =	dma.local @!p0 [hbm:s6], $0xF7A  }
0x23: {  	s9 =	sor.u32 $0xD0000000, s2;
	s6 =	simm.s32 $0x108;
	_ =	swait.ge @!p0 [sflag:s8], $0x0  }
0x24: {  	s3 =	sadd.s32 $0x88, s3;
	s6 =	simm.s32 @!p1 $0x1082;
	[sflag:s4] =	ssyncset.s32 $0xFFFFF086  }
0x25: {  	[simem:s6], [sflag:s4] =	dma.local [hbm:s3], $0xF7A  }
0x26: {  	[smem:$0x3F9F] =	sst s1;
	(tag) =	ssettag s2;
	_ =	strace s9  }
0x27: {  	s1 =	sld [smem:$0x3FAF]  }
0x28: {  	s2 =	sld [smem:$0x3FB0]  }
0x29: {  	s4 =	sld [smem:$0x3FB2]  }
0x2a: {  	p0 =	seq.s32 s5, $0x0;
	s5 =	sld [smem:$0x3FB3]  }
0x2b: {  	s6 =	sld [smem:$0x3FB4]  }
0x2c: {  	s7 =	sld [smem:$0x3FB5]  }
0x2d: {  	s3 =	simm.s32 $0x108;
	s8 =	sld [smem:$0x3FB6]  }
0x2e: {  	s3 =	simm.s32 @!p0 $0x1082;
	s9 =	sld [smem:$0x3FB7]  }
0x2f: {  	lr =	sadd.s32 s0, s3;
	s0 =	sld [smem:$0x3FAE]  }
0x30: {  	s3 =	sld [smem:$0x3FB1]  }
0x31: {  	[smem:$0x3FBA] =	sst s10  }
0x32: {  	s10 =	sld [smem:$0x3FB8];
	_ =	sdelay $0x3  }
0x33: {  	p0 =	seq.s32 s10, $0x1;
	s10 =	sld [smem:$0x3FBA];
	_ =	sdelay $0x3  }
0x34: {  	[smem:$0x3FBA] =	sst s10  }
0x35: {  	s10 =	sld [smem:$0x3FB9];
	_ =	sdelay $0x3  }
0x36: {  	p1 =	seq.s32 s10, $0x1;
	s10 =	sld [smem:$0x3FBA];
	_ =	sdelay $0x3  }
0x37: {  	[smem:$0x3FBA] =	sst s10  }
0x38: {  	s10 =	sld [smem:$0x3FBB]  }
0x39: {  	_ = 	snop;
	(pc) =	sbr.ind lr, $3  }
0x3a: {  	_ = 	snop  }
0x3b: {  	_ = 	snop  }
0x3c: {  	p2 =	seq.s32 s10, $0x1;
	s10 =	sld [smem:$0x3FBA]  }
0x3d: {  	_ =	shalt  }
0x3e: {  	_ =	shalt  }
0x3f: {  	_ =	shalt  }
0x40: {  	_ =	shalt  }
0x41: {  	_ =	shalt  }
0x42: {  	_ =	shalt  }
0x43: {  	_ =	shalt  }
0x44: {  	_ =	shalt  }
0x45: {  	_ =	shalt  }
0x46: {  	_ =	shalt  }
0x47: {  	_ =	shalt  }
0x48: {  	_ =	shalt  }
0x49: {  	_ =	shalt  }
0x4a: {  	_ =	shalt  }
0x4b: {  	_ =	shalt  }
0x4c: {  	_ =	shalt  }
0x4d: {  	_ =	shalt  }
0x4e: {  	_ =	shalt  }
0x4f: {  	_ =	shalt  }
0x50: {  	_ =	shalt  }
0x51: {  	_ =	shalt  }
0x52: {  	_ =	shalt  }
0x53: {  	_ =	shalt  }
0x54: {  	_ =	shalt  }
0x55: {  	_ =	shalt  }
0x56: {  	_ =	shalt  }
0x57: {  	_ =	shalt  }
0x58: {  	_ =	shalt  }
0x59: {  	_ =	shalt  }
0x5a: {  	_ =	shalt  }
0x5b: {  	_ =	shalt  }
0x5c: {  	_ =	shalt  }
0x5d: {  	_ =	shalt  }
0x5e: {  	_ =	shalt  }
0x5f: {  	_ =	shalt  }
0x60: {  	_ =	shalt  }
0x61: {  	_ =	shalt  }
0x62: {  	_ =	shalt  }
0x63: {  	_ =	shalt  }
0x64: {  	_ =	shalt  }
0x65: {  	_ =	shalt  }
0x66: {  	_ =	shalt  }
0x67: {  	_ =	shalt  }
0x68: {  	_ =	shalt  }
0x69: {  	_ =	shalt  }
0x6a: {  	_ =	shalt  }
0x6b: {  	_ =	shalt  }
0x6c: {  	_ =	shalt  }
0x6d: {  	_ =	shalt  }
0x6e: {  	_ =	shalt  }
0x6f: {  	_ =	shalt  }
0x70: {  	_ =	shalt  }
0x71: {  	_ =	shalt  }
0x72: {  	_ =	shalt  }
0x73: {  	_ =	shalt  }
0x74: {  	_ =	shalt  }
0x75: {  	_ =	shalt  }
0x76: {  	_ =	shalt  }
0x77: {  	_ =	shalt  }
0x78: {  	_ =	shalt  }
0x79: {  	_ =	shalt  }
0x7a: {  	_ =	shalt  }
0x7b: {  	_ =	shalt  }
0x7c: {  	_ =	shalt  }
0x7d: {  	_ =	shalt  }
0x7e: {  	_ =	shalt  }
0x7f: {  	_ =	shalt  }
0x80: {  	_ =	shalt  }
0x81: {  	_ =	shalt  }
0x82: {  	_ =	shalt  }
0x83: {  	_ =	shalt  }
0x84: {  	_ =	shalt  }
0x85: {  	_ =	shalt  }
0x86: {  	_ =	shalt  }
0x87: {  	_ =	shalt  }
.Lfunc_end0:
.L_simem_size_0:
called_computation_lowered:
.L_overlay_start_0:
0x88: {  	s2 =	sld [smem:$0x3FD9]  }
0x89: {  	s3 =	sld [smem:$0x3FFE];
	_ =	sdelay $0x1  }
0x8a: {  	s1 =	srdreg.scid  }
0x8b: {  	s0 =	sand.u32 $0x1, s1  }
0x8c: {  	s18 =	sshll.u32 s0, $0xA;
	s2 =	sadd.s32 s3, s2  }
0x8d: {  	s2 =	sadd.s32 s2, s18  }
0x8e: {  	[smem:$0x3FC6] =	sst s2  }
0x8f: {  	_ = 	snop  }
0x90: {  	s2 =	sld [smem:$0x3FC9]  }
0x91: {  	s19 =	sld [smem:$0x3FC8]  }
0x92: {  	s4 =	sld [smem:$0x3FD0];
	(tm) =	ssettm $0x1  }
0x93: {  	s5 =	sld [smem:$0x3FFB];
	_ =	sdelay $0x3  }
0x94: {  	_ =	strace s5  }
0x95: {  	s5 =	sld [smem:$0x3FFC];
	_ =	sdelay $0x3  }
0x96: {  	_ =	strace s5  }
0x97: {  	s5 =	sld [smem:$0x3FFD];
	_ =	sdelay $0x3  }
0x98: {  	_ =	strace s5  }
0x99: {  	_ =	strace $0x8FFFFFFF  }
0x9a: {  	s20 =	sld [smem:$0x3FDB];
	_ =	sdelay $0x1  }
0x9b: {  	s6 =	simm.s32 $_scs_section_size  }
0x9c: {  	s7 =	simm.s32 $_size__tile_overlayer_lowered;
	s8 =	simm.s32 $_tile_overlayer_lowered  }
0x9d: {  	s23 =	simm.s32 $0x1BFF;
	s22 =	sshll.u32 s8, $0x1;
	s5 =	sadd.s32 s6, s20  }
0x9e: {  	s9 =	simm.s32 $0x0;
	s21 =	sshll.u32 s7, $0x1;
	s7 =	sadd.s32 s22, s5  }
0x9f: {  	[timem:s9], [sflag:s23] =	dma.local [hbm:s7], s21  }
0xa0: {  	_ =	swait.ge [sflag:s23], s21  }
0xa1: {  	s6 =	ssub.s32 $0x0, s21;
	[sflag:s23] =	ssyncset.done $0x0  }
0xa2: {  	[sflag:s23] =	ssyncadd.s32 s6;
	_ =	sdelay $0x1  }
0xa3: {  	s24 =	simm.s32 $0x1B8B  }
0xa4: {  	_ =	swait.ge [sflag:s24], $0x1  }
0xa5: {  	[sflag:s24] =	ssyncset.done $0x0  }
0xa6: {  	s25 =	simm.s32 $0x1B8E;
	[sflag:s24] =	ssyncadd.s32 $0xFFFFFFFF  }
0xa7: {  	s26 =	simm.s32 $execute0_lowered;
	[smem:$0x3FD2] =	sst s25  }
0xa8: {  	s6 =	sshll.u32 s26, $0x1;
	_ =	strace $0x80000046;
	[dreg:$0x1] =	wrdreg $0xFFFFFFFF  }
0xa9: {  	s28 =	simm.s32 $_size_execute0_lowered;
	s5 =	sadd.s32 s5, s6;
	[dreg:$0x0] =	wrdreg $0x0  }
0xaa: {  	s6 =	sshll.u32 s28, $0x1;
	[dreg:$0x2] =	wrdreg s5  }
0xab: {  	[dreg:$0x3] =	wrdreg s6  }
0xac: {  	[dreg:$0x4] =	wrdreg $0xC0  }
0xad: {  	_ =	task [dreg:s9], $0x5FFFF  }
0xae: {  	[dreg:$0x1] =	wrdreg $0xFFFFFFFF  }
0xaf: {  	[dreg:$0x0] =	wrdreg $0x60  }
0xb0: {  	[dreg:$0x2] =	wrdreg s2  }
0xb1: {  	[dreg:$0x3] =	wrdreg s19  }
0xb2: {  	[dreg:$0x4] =	wrdreg s4  }
0xb3: {  	[dreg:$0x5] =	wrdreg $0x9  }
0xb4: {  	_ =	task.clear_ibuf [dreg:s9], $0x6FFFF;
	_ =	strace $0x90000046  }
0xb5: {  	s29 =	simm.s32 $0x9;
	_ =	strace $0x80000048  }
0xb6: {  	_ =	swait.ge [sflag:s29], $0x1  }
0xb7: {  	[sflag:s29] =	ssyncadd.s32 $0xFFFFFFFF  }
0xb8: {  	_ =	strace $0x90000048  }
0xb9: {  	_ =	sfence  }
0xba: {  	s30 =	sld [smem:$0x0];
	_ =	sdelay $0x2  }
0xbb: {  	s31 =	sshll.u32 s1, $0xD;
	s1 =	sshrl.u32 s1, $0x2  }
0xbc: {  	s3 =	sand.u32 $0x4000, s31;
	s1 =	sadd.s32 s1, s30  }
0xbd: {  	s0 =	sor.u32 s3, s0;
	s1 =	sshll.u32 s1, $0x11  }
0xbe: {  	s0 =	sor.u32 s1, s0  }
0xbf: {  	s0 =	sadd.s32 $0x8F2B, s0  }
0xc0: {  	[sflag:s0] =	ssyncadd.remote.s32 $0x1  }
0xc1: {  	_ =	sfence.sel $0xFFFF  }
0xc2: {  	[dreg:$0x0] =	wrdreg $0xFFFFFFFF;
	(pc) =	sbr.abs _section_cstart, $3  }
0xc3: {  	[dreg:$0x1] =	wrdreg $0xFFFFFFFF  }
0xc4: {  	_ =	task.clear_ibuf [dreg:s9], $0x2FFFF;
	_ =	strace $0x9FFFFFFF  }
0xc5: {  	(tm) =	ssettm $0x7FFFFFFF  }
tec
execute0_lowered:
.L_overlay_start_1:
0x0: {  	(tag) =	ssettag $0x1  }
0x1: {  	s1 =	rddreg [dreg:$0x0]  }
0x2: {  	s4 =	rddreg [dreg:$0x2]  }
0x3: {  	s0 =	srdreg.scid;
	s2 =	stileid.u32;
	s5 =	simm.s32 $0x0  }
0x4: {  	s18 =	simm.s32 $0x10200;
	s28 =	simm.s32 $0x2;
	s29 =	simm.s32 $0x3  }
0x5: {  	s30 =	simm.s32 $0x4;
	s31 =	simm.s32 $0x0;
	s0 =	sand.u32 $0x1, s0  }
0x6: {  	s2 =	sshll.u32 s2, $0xA;
	[smem:$0x7FF] =	sst s5;
	s3 =	sshll.u32 s0, $0x9  }
0x7: {  	_ =	strace $0x80000047;
	s0 =	ssub.s32 $0x2, s0;
	s6 =	sor.u32 s3, s2  }
0x8: {  	s19 =	sshrl.u32 s0, $0x1;
	s2 =	sshrl.u32 s6, $0x3;
	s8 =	sshll.u32 s6, $0x6  }
0x9: {  	s0 =	ssub.s32 s0, s19;
	s19 =	simm.s32 $0x5;
	s8 =	sadd.s32 s4, s8  }
0xa: {  	s7 =	sor.u32 $0x10, s2;
	s0 =	smax.u32 s0, $0x1;
	[dreg:$0x5] =	wrdreg s8  }
0xb: {  	s22 =	sor.u32 $0x20, s2;
	s20 =	sshll.u32 s7, $0xD;
	[dreg:$0xf] =	wrdreg s0  }
0xc: {  	s2 =	sor.u32 $0x30, s2;
	s21 =	sadd.s32 $0x1000, s8;
	[dreg:$0x4] =	wrdreg s20  }
0xd: {  	s7 =	sshll.u32 s7, $0x9;
	s9 =	sshll.u32 s22, $0xD;
	[dreg:$0x6] =	wrdreg s21  }
0xe: {  	s23 =	sadd.s32 $0x3000, s8;
	s24 =	sshll.u32 s2, $0xD;
	[dreg:$0x7] =	wrdreg s9  }
0xf: {  	s3 =	sshll.u32 s22, $0x9;
	s25 =	sadd.s32 $0x5000, s8;
	[dreg:$0x9] =	wrdreg s23  }
0x10: {  	s2 =	sshll.u32 s2, $0x9;
	s26 =	sadd.s32 $0x7000, s8;
	[dreg:$0xa] =	wrdreg s24  }
.Ltmp0:
0x11: {  	s22 =	simm.s32 $0x2000;
	[dreg:$0xc] =	wrdreg s25;
	(pc) =	sbr.rel .LBB2_1-.Ltmp0, $4  }
0x12: {  	s7 =	sadd.s32 s4, s7;
	s3 =	sadd.s32 s4, s3;
	[dreg:$0xe] =	wrdreg s26  }
0x13: {  	s2 =	sadd.s32 s4, s2;
	s20 =	simm.s32 $0x1;
	[dreg:$0x8] =	wrdreg s7  }
0x14: {  	s21 =	simm.s32 $0x400;
	s23 =	simm.s32 $0x200;
	[dreg:$0xb] =	wrdreg s3  }
0x15: {  	s24 =	simm.s32 $0x4200;
	s25 =	simm.s32 $0x8200;
	[dreg:$0xd] =	wrdreg s2  }
.LBB2_46:
0x16: {  	s31 =	sadd.s32 $0x1, s31;
	s0 =	rddreg [dreg:$0xf]  }
0x17: {  	p0 =	sne.s32 s31, s0  }
.Ltmp1:
0x18: {  	_ = 	snop;
	(pc) =	sbr.rel @!p0 .LBB2_47-.Ltmp1, $2  }
0x19: {  	_ =	sdelay $0x2  }
0x1a: {  	s18 =	simm.s32 $0x10200  }
.LBB2_1:
0x1b: {  	s0 =	rddreg [dreg:$0x1]  }
0x1c: {  	[tilespmem:s5], [sflag:$0x5] =	stream.linear.gather [hbm4b:s0+s5], $0x200, $0x38;
	[tilespmem:$0x18200] =	vst v63  }
0x1d: {  	_ =	swait.ge [sflag:s19], $0x200  }
0x1e: {  	[sflag:s19] =	ssyncset.done $0x0  }
0x1f: {  	s2 =	simm.s32 $0x0;
	[sflag:s19] =	ssyncadd.s32 $0xFFFFFE00  }
0x20: {  	v1 =	vimm.s32 $0x3FF;
	v0 =	vimm.s32 $0x0;
	s0 =	simm.s32 $0x40;
	v2 =	vld [tilespmem:s2+$0x0]  }
.LBB2_2:
0x21: {  	p0 =	sne.s32 s0, $0x7C0  }
.Ltmp2:
0x22: {  	_ = 	snop;
	(pc) =	sbr.rel @p0 .LBB2_2-.Ltmp2, $3  }
0x23: {  	_ =	sdelay $0x1  }
0x24: {  	s2 =	sshra.s32 s0, $0x2;
	s0 =	sadd.s32 $0x40, s0;
	vm0 =	vlt.s32 v1, v2;
	vm1 =	vgt.s32 v0, v2  }
0x25: {  	v1 =	vsel vm0, v1, v2;
	v0 =	vsel vm1, v0, v2;
	v2 =	vld [tilespmem:s2+$0x0]  }
0x26: {  	_ =	sdelay $0x3  }
0x27: {  	vm0 =	vlt.s32 v1, v2  }
0x28: {  	v1 =	vsel vm0, v1, v2  }
0x29: {  	vm15 =	vgt.s32 v0, v2;
	v1 =	vxor.u32 $0x80000000, v1  }
0x2a: {  	v0 =	vsel vm15, v0, v2;
	(xrf0) =	vmin.scan.msk.u32 $0xffff, v1  }
0x2b: {  	v0 =	vxor.u32 $0x80000000, v0  }
0x2c: {  	(xrf0) =	vmax.scan.msk.u32 $0xffff, v0;
	_ =	sdelay $0x3  }
0x2d: {  	v62, _, _ =	vpop (xrf0)  }
0x2e: {  	(v2sf) =	vpush v62, $0xF  }
0x2f: {  	v63, _, _ =	vpop (xrf0)  }
0x30: {  	(v2sf) =	vpush v63, $0xF;
	_ =	sdelay $0xc  }
0x31: {  	s0 =	spop (v2sf)  }
0x32: {  	s2 =	sxor.u32 $0x80000000, s0;
	p1 =	sgt.s32 s0, $0xFFFFFFFF  }
0x33: {  	s0 =	sand.u32 $0x7F, s0;
	s16 =	spop (v2sf);
	s3 =	sshra.s32 s2, $0x1F  }
0x34: {  	p0 =	slt.s32 s2, $0x1;
	p4 =	sne.s32 s0, $0x0;
	s7 =	sxor.u32 $0x80000000, s16  }
0x35: {  	p2 =	sgt.s32 s16, $0xFFFFFFFF;
	s0 =	sand.u32 $0x7F, s16;
	p0 =	por p1, p0  }
0x36: {  	s3 =	sshrl.u32 s3, $0x19;
	p5 =	slt.s32 s7, $0x1;
	p6 =	sne.s32 s0, $0x0  }
0x37: {  	s26 =	sshra.s32 s7, $0x1F;
	p0 =	por !p4, !p0;
	p1 =	por p2, p5  }
0x38: {  	s2 =	sadd.s32 s3, s2;
	s3 =	simm.s32 $0x1;
	p1 =	por !p6, !p1  }
0x39: {  	s17 =	sshra.s32 s2, $0x7;
	p2 =	por !p0, !p0;
	s2 =	sshrl.u32 s26, $0x19  }
0x3a: {  	s2 =	sadd.s32 s2, s7;
	p0 =	por !p1, !p1;
	s7 =	simm.s32 $0x1  }
0x3b: {  	s3 =	simm.s32 @!p2 $0x0;
	s2 =	sshra.s32 s2, $0x7;
	s7 =	simm.s32 @!p0 $0x0  }
0x3c: {  	s0 =	ssub.s32 s17, s3;
	s3 =	ssub.s32 s2, s7  }
0x3d: {  	p1 =	sne.s32 s3, s0  }
.Ltmp3:
0x3e: {  	_ = 	snop;
	(pc) =	sbr.rel @p1 .LBB2_37-.Ltmp3, $1  }
0x3f: {  	_ =	sdelay $0x3  }
0x40: {  	s7 =	sadd.s32 s6, s0  }
0x41: {  	s7 =	sshll.u32 s7, $0x7  }
0x42: {  	s8 =	rddreg [dreg:$0x4];
	s9 =	sand.u32 $0x1FFFFF80, s7;
	s7 =	sshll.u32 s0, $0xA  }
0x43: {  	s9 =	sadd.s32 s1, s9;
	s17 =	sadd.s32 s8, s7  }
0x44: {  	[tilespmem:s23], [sflag:$0x1] =	stream.strided.gather [hbm4b:s9+s21], $0x4000, s22, s21, $0x38;
	[tilespmem:$0x18200] =	vst v63  }
0x45: {  	s9 =	sshrl.u32 s17, $0x3  }
0x46: {  	s9 =	sadd.s32 s1, s9  }
0x47: {  	[tilespmem:s24], [sflag:$0x2] =	stream.strided.gather [hbm4b:s9+s21], $0x4000, s22, s21, $0x38;
	[tilespmem:$0x18200] =	vst v63  }
0x48: {  	_ =	swait.ge [sflag:s20], $0x4000  }
0x49: {  	s26 =	sshll.u32 s0, $0x7;
	s10 =	simm.s32 $0x0;
	[sflag:s20] =	ssyncset.done $0x0  }
0x4a: {  	s11 =	simm.s32 $0x0;
	v0 =	vmov s26;
	s9 =	simm.s32 $0x0;
	[sflag:s20] =	ssyncadd.s32 $0xFFFFC000  }
.LBB2_5:
0x4b: {  	s12 =	sshll.u32 s11, $0x4  }
0x4c: {  	v1 =	vld [tilespmem:s12+$0x0];
	_ =	sdelay $0x4  }
0x4d: {  	v2 =	vsub.s32 v1, v0  }
0x4e: {  	v1 =	vand.u32 $0x7F, v1;
	v2 =	vand.u32 $0xFFFFFF80, v2  }
0x4f: {  	s26 =	simm.s32 $0x0;
	v1 =	vor.u32 v1, v2  }
0x50: {  	s8 =	simm.s32 $0x380;
	v2 =	vadd.s32 s26, v1  }
0x51: {  	s13 =	simm.s32 $0x80;
	v3 =	vadd.s32 s8, v1  }
0x52: {  	s15 =	simm.s32 $0x180;
	v4 =	vadd.s32 s13, v1  }
0x53: {  	s14 =	simm.s32 $0x100;
	v6 =	vadd.s32 s15, v1  }
0x54: {  	s16 =	simm.s32 $0x200;
	v5 =	vadd.s32 s14, v1  }
0x55: {  	s17 =	simm.s32 $0x280;
	v7 =	vadd.s32 s16, v1;
	v2 =	vld.idx.msk [tilespmem:v2+s23+$0x0], $0xffff  }
0x56: {  	s26 =	simm.s32 $0x300;
	v8 =	vadd.s32 s17, v1;
	v3 =	vld.idx.msk [tilespmem:v3+s23+$0x0], $0xffff  }
0x57: {  	v9 =	vadd.s32 s26, v1;
	v4 =	vld.idx.msk [tilespmem:v4+s23+$0x0], $0xffff  }
0x58: {  	s8 =	simm.s32 $0x400;
	v6 =	vld.idx.msk [tilespmem:v6+s23+$0x0], $0xffff  }
0x59: {  	s13 =	simm.s32 $0x780;
	v10 =	vadd.s32 s8, v1;
	v5 =	vld.idx.msk [tilespmem:v5+s23+$0x0], $0xffff  }
0x5a: {  	s16 =	sshll.u32 s10, $0x2;
	s14 =	sand.u32 $0x7, s9;
	s15 =	simm.s32 $0x480;
	v11 =	vadd.s32 s13, v1;
	v7 =	vld.idx.msk [tilespmem:v7+s23+$0x0], $0xffff  }
0x5b: {  	s17 =	sand.u32 $0xFFFFF000, s16;
	s26 =	sshll.u32 s14, $0x6;
	v12 =	vadd.s32 s15, v1;
	s15 =	simm.s32 $0x580;
	v8 =	vld.idx.msk [tilespmem:v8+s23+$0x0], $0xffff;
	v13 =	vtrunc.f32 v3  }
0x5c: {  	s8 =	simm.s32 $0x500;
	s12 =	sor.u32 s26, s17;
	v16 =	vadd.s32 s15, v1;
	v15 =	vld.idx.msk [tilespmem:v9+s23+$0x0], $0xffff;
	v3 =	vtrunc.f32 v2;
	v4 =	vtrunc.f32 v4  }
0x5d: {  	s16 =	simm.s32 $0x600;
	v14 =	vadd.s32 s8, v1;
	s12 =	sshrl.u32 s12, $0x2;
	v6 =	vtrunc.f32 v6;
	v9 =	vcvt.f32.s32 v13  }
0x5e: {  	s17 =	simm.s32 $0x680;
	s12 =	sadd.s32 $0x8400, s12;
	v2 =	vld.idx.msk [tilespmem:v10+s23+$0x0], $0xffff;
	v10 =	vadd.s32 s16, v1;
	v13 =	vtrunc.f32 v5;
	v17 =	vcvt.f32.s32 v4  }
0x5f: {  	s26 =	simm.s32 $0x700;
	v7 =	vtrunc.f32 v7;
	v5 =	vld.idx.msk [tilespmem:v11+s23+$0x0], $0xffff;
	v11 =	vcvt.f32.s32 v13;
	[tilespmem:s12+$0x180] =	vst v9;
	v9 =	vadd.s32 s17, v1  }
0x60: {  	v4 =	vld.idx.msk [tilespmem:v12+s23+$0x0], $0xffff;
	v12 =	vcvt.f32.s32 v6;
	v13 =	vcvt.f32.s32 v7;
	v7 =	vadd.s32 s26, v1;
	[tilespmem:s12+$0xFFFFFE80] =	vst v17  }
0x61: {  	v63 =	vtrunc.f32 v8;
	v8 =	vld.idx.msk [tilespmem:v16+s23+$0x0], $0xffff;
	[tilespmem:s12+$0xFFFFFF00] =	vst v11;
	v11 =	vtrunc.f32 v15  }
0x62: {  	s13 =	simm.s32 $0x800;
	s14 =	simm.s32 $0x18;
	v6 =	vld.idx.msk [tilespmem:v14+s23+$0x0], $0xffff;
	[tilespmem:s12+$0xFFFFFF80] =	vst v12;
	v12 =	vcvt.f32.s32 v63;
	v11 =	vcvt.f32.s32 v11  }
.LBB2_6:
0x63: {  	p1 =	slt.u32 s14, $0x38;
	v14 =	vadd.s32 s13, v1;
	s15 =	sadd.s32 $0x80, s13;
	s16 =	sadd.s32 $0x380, s13;
	v15 =	vld.idx.msk [tilespmem:v10+s23+$0x0], $0xffff;
	v16 =	vcvt.f32.s32 v3;
	[tilespmem:s12+$0x0] =	vst v13  }
0x64: {  	s17 =	sadd.s32 $0x180, s13;
	s8 =	sadd.s32 $0x200, s13;
	v3 =	vtrunc.f32 v2;
	v13 =	vadd.s32 s15, v1;
	s15 =	sadd.s32 $0x100, s13;
	v17 =	vadd.s32 s16, v1;
	v18 =	vld.idx.msk [tilespmem:v9+s23+$0x0], $0xffff;
	[tilespmem:s12+$0x80] =	vst v12  }
0x65: {  	v19 =	vadd.s32 s17, v1;
	v2 =	vtrunc.f32 v5;
	v12 =	vadd.s32 s15, v1;
	s15 =	sadd.s32 $0x280, s13;
	s13 =	sadd.s32 $0x300, s13;
	v20 =	vld.idx.msk [tilespmem:v7+s23+$0x0], $0xffff;
	[tilespmem:s12+$0x100] =	vst v11  }
0x66: {  	v10 =	vadd.s32 s8, v1;
	v5 =	vcvt.f32.s32 v2;
	v9 =	vadd.s32 s15, v1;
	[tilespmem:s12+$0xFFFFFE00] =	vst v16  }
0x67: {  	v4 =	vtrunc.f32 v4;
	v7 =	vadd.s32 s13, v1;
	v6 =	vtrunc.f32 v6;
	s12 =	sadd.s32 $0x1000, s12  }
.Ltmp4:
0x68: {  	v11 =	vcvt.f32.s32 v4;
	v8 =	vtrunc.f32 v8;
	v2 =	vld.idx.msk [tilespmem:v14+s23+$0x0], $0xffff;
	[tilespmem:s12+$0x180] =	vst v5;
	(pc) =	sbr.rel @p1 .LBB2_6-.Ltmp4, $4  }
0x69: {  	v14 =	vcvt.f32.s32 v6;
	v15 =	vtrunc.f32 v15;
	v5 =	vld.idx.msk [tilespmem:v17+s23+$0x0], $0xffff  }
0x6a: {  	v16 =	vtrunc.f32 v18;
	v4 =	vld.idx.msk [tilespmem:v13+s23+$0x0], $0xffff;
	[tilespmem:s12+$0xFFFFFE80] =	vst v11;
	v11 =	vcvt.f32.s32 v8  }
0x6b: {  	v13 =	vcvt.f32.s32 v15;
	v6 =	vld.idx.msk [tilespmem:v12+s23+$0x0], $0xffff;
	[tilespmem:s12+$0xFFFFFF00] =	vst v14;
	v14 =	vtrunc.f32 v20  }
0x6c: {  	s13 =	sshll.u32 s14, $0x7;
	s14 =	sadd.s32 $0x8, s14;
	v12 =	vcvt.f32.s32 v16;
	v8 =	vld.idx.msk [tilespmem:v19+s23+$0x0], $0xffff;
	[tilespmem:s12+$0xFFFFFF80] =	vst v11;
	v11 =	vcvt.f32.s32 v14  }
0x6d: {  	_ = 	snop  }
0x6e: {  	s8 =	sadd.s32 $0x380, s13  }
0x6f: {  	s14 =	sadd.s32 $0x80, s13;
	s17 =	sadd.s32 $0x100, s13;
	v3 =	vcvt.f32.s32 v3;
	v14 =	vadd.s32 s8, v1  }
0x70: {  	[tilespmem:s12+$0x0] =	vst v13;
	s26 =	sadd.s32 $0x180, s13;
	s15 =	sadd.s32 $0x200, s13;
	v2 =	vtrunc.f32 v2;
	v45 =	vadd.s32 s14, v1;
	v46 =	vadd.s32 s17, v1  }
0x71: {  	v10 =	vld.idx.msk [tilespmem:v10+s23+$0x0], $0xffff;
	s16 =	sadd.s32 $0x280, s13;
	[tilespmem:s12+$0x80] =	vst v12;
	v5 =	vtrunc.f32 v5;
	v15 =	vadd.s32 s26, v1;
	v47 =	vadd.s32 s15, v1  }
0x72: {  	v9 =	vld.idx.msk [tilespmem:v9+s23+$0x0], $0xffff;
	[tilespmem:s12+$0x100] =	vst v11;
	s26 =	sadd.s32 $0x300, s13;
	v48 =	vadd.s32 s16, v1;
	v2 =	vcvt.f32.s32 v2;
	v5 =	vcvt.f32.s32 v5  }
0x73: {  	v7 =	vld.idx.msk [tilespmem:v7+s23+$0x0], $0xffff;
	s17 =	sadd.s32 $0x1000, s12;
	v4 =	vtrunc.f32 v4;
	[tilespmem:s12+$0xFFFFFE00] =	vst v3;
	v50 =	vadd.s32 s26, v1;
	v1 =	vadd.s32 s13, v1  }
0x74: {  	v3 =	vtrunc.f32 v6;
	v4 =	vcvt.f32.s32 v4;
	[tilespmem:s17+$0xFFFFFE00] =	vst v2;
	v49 =	vld.idx.msk [tilespmem:v14+s23+$0x0], $0xffff  }
0x75: {  	v8 =	vtrunc.f32 v8;
	[tilespmem:s17+$0x180] =	vst v5;
	v3 =	vcvt.f32.s32 v3;
	v13 =	vld.idx.msk [tilespmem:v45+s23+$0x0], $0xffff  }
0x76: {  	v10 =	vtrunc.f32 v10;
	[tilespmem:s17+$0xFFFFFE80] =	vst v4;
	v51 =	vcvt.f32.s32 v8;
	v53 =	vld.idx.msk [tilespmem:v46+s23+$0x0], $0xffff  }
0x77: {  	v52 =	vtrunc.f32 v9;
	[tilespmem:s17+$0xFFFFFF00] =	vst v3;
	v3 =	vcvt.f32.s32 v10;
	v54 =	vld.idx.msk [tilespmem:v15+s23+$0x0], $0xffff  }
0x78: {  	v7 =	vtrunc.f32 v7;
	v55 =	vcvt.f32.s32 v52;
	[tilespmem:s17+$0xFFFFFF80] =	vst v51;
	v1 =	vld.idx.msk [tilespmem:v1+s23+$0x0], $0xffff  }
0x79: {  	v7 =	vcvt.f32.s32 v7;
	v56 =	vld.idx.msk [tilespmem:v47+s23+$0x0], $0xffff;
	[tilespmem:s17+$0x0] =	vst v3;
	v57 =	vtrunc.f32 v49  }
0x7a: {  	v3 =	vld.idx.msk [tilespmem:v48+s23+$0x0], $0xffff;
	[tilespmem:s17+$0x80] =	vst v55;
	v59 =	vtrunc.f32 v13;
	v4 =	vcvt.f32.s32 v57  }
0x7b: {  	s8 =	sadd.s32 $0x1000, s17;
	v58 =	vld.idx.msk [tilespmem:v50+s23+$0x0], $0xffff;
	[tilespmem:s17+$0x100] =	vst v7;
	v2 =	vtrunc.f32 v53;
	v6 =	vcvt.f32.s32 v59  }
0x7c: {  	v60 =	vtrunc.f32 v54;
	v2 =	vcvt.f32.s32 v2;
	[tilespmem:s8+$0x180] =	vst v4  }
0x7d: {  	s11 =	sadd.s32 $0x1, s11;
	v62 =	vcvt.f32.s32 v60;
	v1 =	vtrunc.f32 v1;
	[tilespmem:s8+$0xFFFFFE80] =	vst v6  }
0x7e: {  	p1 =	sne.s32 s11, $0x20;
	v61 =	vtrunc.f32 v56;
	v1 =	vcvt.f32.s32 v1;
	[tilespmem:s8+$0xFFFFFF00] =	vst v2  }
.Ltmp5:
0x7f: {  	v3 =	vtrunc.f32 v3;
	v2 =	vcvt.f32.s32 v61;
	[tilespmem:s8+$0xFFFFFF80] =	vst v62;
	(pc) =	sbr.rel @p1 .LBB2_5-.Ltmp5, $4  }
0x80: {  	v63 =	vtrunc.f32 v58;
	v3 =	vcvt.f32.s32 v3;
	[tilespmem:s8+$0xFFFFFE00] =	vst v1  }
0x81: {  	v4 =	vcvt.f32.s32 v63;
	[tilespmem:s8+$0x0] =	vst v2  }
0x82: {  	[tilespmem:s8+$0x80] =	vst v3  }
0x83: {  	s10 =	sadd.s32 $0x80, s10;
	s9 =	sadd.s32 $0x1, s9;
	[tilespmem:s8+$0x100] =	vst v4  }
0x84: {  	s9 =	simm.s32 $0x0  }
0x85: {  	s8 =	rddreg [dreg:$0x5];
	s10 =	simm.s32 $0x0;
	s11 =	simm.s32 $0x0  }
0x86: {  	[hbm4b:s8+s9] =	stream.linear.scatter [tilespmem:s25], [sflag:$0x3], $0x8000, $0x38;
	[tilespmem:$0x18200] =	vst v63  }
.LBB2_9:
0x87: {  	s8 =	sshll.u32 s11, $0x4  }
0x88: {  	v1 =	vld [tilespmem:s8+$0x0];
	_ =	sdelay $0x4  }
0x89: {  	v2 =	vsub.s32 v1, v0  }
0x8a: {  	v1 =	vand.u32 $0x7F, v1;
	v2 =	vand.u32 $0xFFFFFF80, v2  }
0x8b: {  	s14 =	simm.s32 $0x2380;
	v1 =	vor.u32 v1, v2  }
0x8c: {  	s12 =	simm.s32 $0x2000;
	v2 =	vadd.s32 s14, v1  }
0x8d: {  	s15 =	simm.s32 $0x2080;
	v3 =	vadd.s32 s12, v1  }
0x8e: {  	s16 =	simm.s32 $0x2100;
	v4 =	vadd.s32 s15, v1  }
0x8f: {  	s17 =	simm.s32 $0x2180;
	v5 =	vadd.s32 s16, v1  }
0x90: {  	s26 =	simm.s32 $0x2200;
	v6 =	vadd.s32 s17, v1  }
0x91: {  	s13 =	simm.s32 $0x2280;
	v7 =	vadd.s32 s26, v1;
	v2 =	vld.idx.msk [tilespmem:v2+s23+$0x0], $0xffff  }
0x92: {  	v8 =	vadd.s32 s13, v1;
	s14 =	simm.s32 $0x2300;
	v3 =	vld.idx.msk [tilespmem:v3+s23+$0x0], $0xffff  }
0x93: {  	v10 =	vadd.s32 s14, v1;
	v4 =	vld.idx.msk [tilespmem:v4+s23+$0x0], $0xffff  }
0x94: {  	s15 =	simm.s32 $0x2780;
	v5 =	vld.idx.msk [tilespmem:v5+s23+$0x0], $0xffff  }
0x95: {  	s16 =	simm.s32 $0x2400;
	v12 =	vadd.s32 s15, v1;
	v11 =	vld.idx.msk [tilespmem:v6+s23+$0x0], $0xffff  }
0x96: {  	s17 =	sshll.u32 s10, $0x2;
	s13 =	sand.u32 $0x7, s9;
	s26 =	simm.s32 $0x2480;
	v13 =	vadd.s32 s16, v1;
	v15 =	vld.idx.msk [tilespmem:v7+s23+$0x0], $0xffff  }
0x97: {  	s8 =	sand.u32 $0xFFFFF000, s17;
	s13 =	sshll.u32 s13, $0x6;
	s14 =	simm.s32 $0x2500;
	v16 =	vadd.s32 s26, v1;
	v17 =	vld.idx.msk [tilespmem:v8+s23+$0x0], $0xffff;
	v2 =	vtrunc.f32 v2  }
0x98: {  	s15 =	simm.s32 $0x2580;
	s8 =	sor.u32 s13, s8;
	v8 =	vadd.s32 s14, v1;
	v10 =	vld.idx.msk [tilespmem:v10+s23+$0x0], $0xffff;
	v3 =	vtrunc.f32 v3;
	v14 =	vtrunc.f32 v4  }
0x99: {  	s16 =	simm.s32 $0x2600;
	v9 =	vadd.s32 s15, v1;
	s8 =	sshrl.u32 s8, $0x2;
	v18 =	vtrunc.f32 v5;
	v2 =	vcvt.f32.s32 v2  }
0x9a: {  	s17 =	simm.s32 $0x2680;
	s12 =	sadd.s32 $0x10400, s8;
	v6 =	vadd.s32 s16, v1;
	v7 =	vld.idx.msk [tilespmem:v12+s23+$0x0], $0xffff;
	v12 =	vtrunc.f32 v11;
	v19 =	vcvt.f32.s32 v3  }
0x9b: {  	s26 =	simm.s32 $0x2700;
	v4 =	vld.idx.msk [tilespmem:v13+s23+$0x0], $0xffff;
	v11 =	vtrunc.f32 v15;
	v3 =	vadd.s32 s17, v1;
	v14 =	vcvt.f32.s32 v14;
	[tilespmem:s12+$0x180] =	vst v2  }
0x9c: {  	s13 =	simm.s32 $0x8;
	v5 =	vld.idx.msk [tilespmem:v16+s23+$0x0], $0xffff;
	v13 =	vtrunc.f32 v17;
	v15 =	vcvt.f32.s32 v18;
	v2 =	vadd.s32 s26, v1;
	[tilespmem:s12+$0xFFFFFE00] =	vst v19  }
.LBB2_10:
0x9d: {  	s8 =	sshll.u32 s13, $0x7;
	s13 =	sadd.s32 $0x8, s13;
	v16 =	vld.idx.msk [tilespmem:v8+s23+$0x0], $0xffff;
	[tilespmem:s12+$0xFFFFFE80] =	vst v14;
	v8 =	vcvt.f32.s32 v12;
	v10 =	vtrunc.f32 v10  }
0x9e: {  	s14 =	sadd.s32 $0x2400, s8;
	s15 =	sadd.s32 $0x2780, s8;
	p1 =	slt.u32 s13, $0x38;
	v12 =	vld.idx.msk [tilespmem:v9+s23+$0x0], $0xffff;
	[tilespmem:s12+$0xFFFFFF00] =	vst v15;
	v9 =	vcvt.f32.s32 v11;
	v11 =	vcvt.f32.s32 v13  }
0x9f: {  	s16 =	sadd.s32 $0x2500, s8;
	s17 =	sadd.s32 $0x2580, s8;
	v17 =	vcvt.f32.s32 v10;
	v13 =	vadd.s32 s14, v1;
	s14 =	sadd.s32 $0x2480, s8;
	v14 =	vadd.s32 s15, v1;
	v15 =	vld.idx.msk [tilespmem:v6+s23+$0x0], $0xffff;
	[tilespmem:s12+$0xFFFFFF80] =	vst v8  }
0xa0: {  	v8 =	vadd.s32 s16, v1;
	s15 =	sadd.s32 $0x2680, s8;
	v18 =	vadd.s32 s14, v1;
	s14 =	sadd.s32 $0x2600, s8;
	s8 =	sadd.s32 $0x2700, s8;
	v19 =	vld.idx.msk [tilespmem:v3+s23+$0x0], $0xffff;
	v3 =	vtrunc.f32 v7;
	[tilespmem:s12+$0x0] =	vst v9  }
0xa1: {  	v9 =	vadd.s32 s17, v1;
	v6 =	vadd.s32 s14, v1;
	v10 =	vld.idx.msk [tilespmem:v2+s23+$0x0], $0xffff;
	v7 =	vcvt.f32.s32 v3;
	[tilespmem:s12+$0x80] =	vst v11  }
.Ltmp6:
0xa2: {  	v4 =	vtrunc.f32 v4;
	v3 =	vadd.s32 s15, v1;
	v2 =	vadd.s32 s8, v1;
	[tilespmem:s12+$0x100] =	vst v17;
	s12 =	sadd.s32 $0x1000, s12;
	(pc) =	sbr.rel @p1 .LBB2_10-.Ltmp6, $4  }
0xa3: {  	v5 =	vtrunc.f32 v5;
	v16 =	vtrunc.f32 v16;
	[tilespmem:s12+$0x180] =	vst v7  }
0xa4: {  	v17 =	vcvt.f32.s32 v4;
	v12 =	vtrunc.f32 v12;
	v7 =	vld.idx.msk [tilespmem:v14+s23+$0x0], $0xffff  }
0xa5: {  	v14 =	vcvt.f32.s32 v5;
	v11 =	vtrunc.f32 v15;
	v4 =	vld.idx.msk [tilespmem:v13+s23+$0x0], $0xffff  }
0xa6: {  	v15 =	vcvt.f32.s32 v16;
	v13 =	vtrunc.f32 v19;
	v5 =	vld.idx.msk [tilespmem:v18+s23+$0x0], $0xffff;
	[tilespmem:s12+$0xFFFFFE00] =	vst v17  }
0xa7: {  	_ =	sdelay $0x2  }
0xa8: {  	[tilespmem:s12+$0xFFFFFE80] =	vst v14;
	v1 =	vcvt.f32.s32 v12  }
0xa9: {  	v8 =	vld.idx.msk [tilespmem:v8+s23+$0x0], $0xffff;
	v11 =	vcvt.f32.s32 v11;
	[tilespmem:s12+$0xFFFFFF00] =	vst v15  }
0xaa: {  	v10 =	vtrunc.f32 v10;
	v9 =	vld.idx.msk [tilespmem:v9+s23+$0x0], $0xffff;
	v58 =	vcvt.f32.s32 v13;
	[tilespmem:s12+$0xFFFFFF80] =	vst v1  }
0xab: {  	v3 =	vld.idx.msk [tilespmem:v3+s23+$0x0], $0xffff;
	v59 =	vcvt.f32.s32 v10;
	v7 =	vtrunc.f32 v7;
	[tilespmem:s12+$0x0] =	vst v11  }
0xac: {  	v2 =	vld.idx.msk [tilespmem:v2+s23+$0x0], $0xffff;
	[tilespmem:s12+$0x80] =	vst v58;
	v7 =	vcvt.f32.s32 v7;
	v4 =	vtrunc.f32 v4  }
0xad: {  	s8 =	sadd.s32 $0x1000, s12;
	v1 =	vld.idx.msk [tilespmem:v6+s23+$0x0], $0xffff;
	[tilespmem:s12+$0x100] =	vst v59;
	v5 =	vtrunc.f32 v5;
	v4 =	vcvt.f32.s32 v4  }
0xae: {  	v60 =	vtrunc.f32 v8;
	[tilespmem:s8+$0x180] =	vst v7;
	v5 =	vcvt.f32.s32 v5  }
0xaf: {  	s11 =	sadd.s32 $0x1, s11;
	v61 =	vtrunc.f32 v9;
	[tilespmem:s8+$0xFFFFFE00] =	vst v4;
	v62 =	vcvt.f32.s32 v60  }
0xb0: {  	p1 =	sne.s32 s11, $0x20;
	v3 =	vtrunc.f32 v3;
	v63 =	vcvt.f32.s32 v61;
	[tilespmem:s8+$0xFFFFFE80] =	vst v5  }
.Ltmp7:
0xb1: {  	v2 =	vtrunc.f32 v2;
	v3 =	vcvt.f32.s32 v3;
	[tilespmem:s8+$0xFFFFFF00] =	vst v62;
	(pc) =	sbr.rel @p1 .LBB2_9-.Ltmp7, $4  }
0xb2: {  	v2 =	vcvt.f32.s32 v2;
	v1 =	vtrunc.f32 v1;
	[tilespmem:s8+$0xFFFFFF80] =	vst v63  }
0xb3: {  	v1 =	vcvt.f32.s32 v1;
	[tilespmem:s8+$0x80] =	vst v3  }
0xb4: {  	[tilespmem:s8+$0x100] =	vst v2  }
0xb5: {  	s10 =	sadd.s32 $0x80, s10;
	s9 =	sadd.s32 $0x1, s9;
	[tilespmem:s8+$0x0] =	vst v1  }
0xb6: {  	s8 =	rddreg [dreg:$0x6]  }
0xb7: {  	s9 =	simm.s32 $0x0;
	s26 =	rddreg [dreg:$0x7]  }
0xb8: {  	[hbm4b:s8+s9] =	stream.linear.scatter [tilespmem:s18], [sflag:$0x4], $0x8000, $0x38;
	[tilespmem:$0x18200] =	vst v63  }
0xb9: {  	s8 =	sadd.s32 s26, s7  }
0xba: {  	s8 =	sshrl.u32 s8, $0x3  }
0xbb: {  	s8 =	sadd.s32 s1, s8  }
0xbc: {  	[tilespmem:s23], [sflag:$0x1] =	stream.strided.gather [hbm4b:s8+s21], $0x4000, s22, s21, $0x38;
	[tilespmem:$0x18200] =	vst v63  }
0xbd: {  	_ =	swait.ge [sflag:s28], $0x4000  }
0xbe: {  	[sflag:s28] =	ssyncset.done $0x0  }
0xbf: {  	[sflag:s28] =	ssyncadd.s32 $0xFFFFC000  }
0xc0: {  	_ =	swait.ge [sflag:s29], $0x8000  }
0xc1: {  	[sflag:s29] =	ssyncset.done $0x0  }
0xc2: {  	s10 =	simm.s32 $0x0;
	s11 =	simm.s32 $0x0;
	[sflag:s29] =	ssyncadd.s32 $0xFFFF8000  }
.LBB2_13:
0xc3: {  	s8 =	sshll.u32 s11, $0x4  }
0xc4: {  	v1 =	vld [tilespmem:s8+$0x0];
	_ =	sdelay $0x4  }
0xc5: {  	v2 =	vsub.s32 v1, v0  }
0xc6: {  	v1 =	vand.u32 $0x7F, v1;
	v2 =	vand.u32 $0xFFFFFF80, v2  }
0xc7: {  	s15 =	simm.s32 $0x0;
	v1 =	vor.u32 v1, v2  }
0xc8: {  	s16 =	simm.s32 $0x380;
	v2 =	vadd.s32 s15, v1  }
0xc9: {  	s12 =	simm.s32 $0x80;
	v3 =	vadd.s32 s16, v1  }
0xca: {  	s26 =	simm.s32 $0x180;
	v4 =	vadd.s32 s12, v1  }
0xcb: {  	s17 =	simm.s32 $0x100;
	v6 =	vadd.s32 s26, v1  }
0xcc: {  	s13 =	simm.s32 $0x200;
	v5 =	vadd.s32 s17, v1  }
0xcd: {  	s14 =	simm.s32 $0x280;
	v7 =	vadd.s32 s13, v1;
	v2 =	vld.idx.msk [tilespmem:v2+s24+$0x0], $0xffff  }
0xce: {  	s15 =	simm.s32 $0x300;
	v8 =	vadd.s32 s14, v1;
	v3 =	vld.idx.msk [tilespmem:v3+s24+$0x0], $0xffff  }
0xcf: {  	v9 =	vadd.s32 s15, v1;
	v4 =	vld.idx.msk [tilespmem:v4+s24+$0x0], $0xffff  }
0xd0: {  	s16 =	simm.s32 $0x400;
	v6 =	vld.idx.msk [tilespmem:v6+s24+$0x0], $0xffff  }
0xd1: {  	s17 =	simm.s32 $0x780;
	v10 =	vadd.s32 s16, v1;
	v5 =	vld.idx.msk [tilespmem:v5+s24+$0x0], $0xffff  }
0xd2: {  	s26 =	sshll.u32 s10, $0x2;
	s13 =	sand.u32 $0x7, s9;
	s14 =	simm.s32 $0x480;
	v11 =	vadd.s32 s17, v1;
	v7 =	vld.idx.msk [tilespmem:v7+s24+$0x0], $0xffff  }
0xd3: {  	s12 =	sand.u32 $0xFFFFF000, s26;
	s13 =	sshll.u32 s13, $0x6;
	v12 =	vadd.s32 s14, v1;
	s15 =	simm.s32 $0x580;
	v8 =	vld.idx.msk [tilespmem:v8+s24+$0x0], $0xffff;
	v13 =	vtrunc.f32 v3  }
0xd4: {  	s14 =	simm.s32 $0x500;
	s8 =	sor.u32 s13, s12;
	v16 =	vadd.s32 s15, v1;
	v15 =	vld.idx.msk [tilespmem:v9+s24+$0x0], $0xffff;
	v3 =	vtrunc.f32 v2;
	v4 =	vtrunc.f32 v4  }
0xd5: {  	s16 =	simm.s32 $0x600;
	v14 =	vadd.s32 s14, v1;
	s8 =	sshrl.u32 s8, $0x2;
	v6 =	vtrunc.f32 v6;
	v9 =	vcvt.f32.s32 v13  }
0xd6: {  	s17 =	simm.s32 $0x680;
	s12 =	sadd.s32 $0x8400, s8;
	v2 =	vld.idx.msk [tilespmem:v10+s24+$0x0], $0xffff;
	v10 =	vadd.s32 s16, v1;
	v13 =	vtrunc.f32 v5;
	v17 =	vcvt.f32.s32 v4  }
0xd7: {  	s26 =	simm.s32 $0x700;
	v7 =	vtrunc.f32 v7;
	v5 =	vld.idx.msk [tilespmem:v11+s24+$0x0], $0xffff;
	v11 =	vcvt.f32.s32 v13;
	[tilespmem:s12+$0x180] =	vst v9;
	v9 =	vadd.s32 s17, v1  }
0xd8: {  	v4 =	vld.idx.msk [tilespmem:v12+s24+$0x0], $0xffff;
	v12 =	vcvt.f32.s32 v6;
	v13 =	vcvt.f32.s32 v7;
	v7 =	vadd.s32 s26, v1;
	[tilespmem:s12+$0xFFFFFE80] =	vst v17  }
0xd9: {  	v63 =	vtrunc.f32 v8;
	v8 =	vld.idx.msk [tilespmem:v16+s24+$0x0], $0xffff;
	[tilespmem:s12+$0xFFFFFF00] =	vst v11;
	v11 =	vtrunc.f32 v15  }
0xda: {  	s13 =	simm.s32 $0x800;
	s14 =	simm.s32 $0x18;
	v6 =	vld.idx.msk [tilespmem:v14+s24+$0x0], $0xffff;
	[tilespmem:s12+$0xFFFFFF80] =	vst v12;
	v12 =	vcvt.f32.s32 v63;
	v11 =	vcvt.f32.s32 v11  }
.LBB2_14:
0xdb: {  	p1 =	slt.u32 s14, $0x38;
	v14 =	vadd.s32 s13, v1;
	s8 =	sadd.s32 $0x80, s13;
	s15 =	sadd.s32 $0x380, s13;
	v15 =	vld.idx.msk [tilespmem:v10+s24+$0x0], $0xffff;
	v16 =	vcvt.f32.s32 v3;
	[tilespmem:s12+$0x0] =	vst v13  }
0xdc: {  	s16 =	sadd.s32 $0x180, s13;
	s17 =	sadd.s32 $0x200, s13;
	v3 =	vtrunc.f32 v2;
	v13 =	vadd.s32 s8, v1;
	s8 =	sadd.s32 $0x100, s13;
	v17 =	vadd.s32 s15, v1;
	v18 =	vld.idx.msk [tilespmem:v9+s24+$0x0], $0xffff;
	[tilespmem:s12+$0x80] =	vst v12  }
0xdd: {  	v19 =	vadd.s32 s16, v1;
	v2 =	vtrunc.f32 v5;
	v12 =	vadd.s32 s8, v1;
	s8 =	sadd.s32 $0x280, s13;
	s13 =	sadd.s32 $0x300, s13;
	v20 =	vld.idx.msk [tilespmem:v7+s24+$0x0], $0xffff;
	[tilespmem:s12+$0x100] =	vst v11  }
0xde: {  	v10 =	vadd.s32 s17, v1;
	v5 =	vcvt.f32.s32 v2;
	v9 =	vadd.s32 s8, v1;
	[tilespmem:s12+$0xFFFFFE00] =	vst v16  }
0xdf: {  	v4 =	vtrunc.f32 v4;
	v7 =	vadd.s32 s13, v1;
	v6 =	vtrunc.f32 v6;
	s12 =	sadd.s32 $0x1000, s12  }
.Ltmp8:
0xe0: {  	v11 =	vcvt.f32.s32 v4;
	v8 =	vtrunc.f32 v8;
	v2 =	vld.idx.msk [tilespmem:v14+s24+$0x0], $0xffff;
	[tilespmem:s12+$0x180] =	vst v5;
	(pc) =	sbr.rel @p1 .LBB2_14-.Ltmp8, $4  }
0xe1: {  	v14 =	vcvt.f32.s32 v6;
	v15 =	vtrunc.f32 v15;
	v5 =	vld.idx.msk [tilespmem:v17+s24+$0x0], $0xffff  }
0xe2: {  	v16 =	vtrunc.f32 v18;
	v4 =	vld.idx.msk [tilespmem:v13+s24+$0x0], $0xffff;
	[tilespmem:s12+$0xFFFFFE80] =	vst v11;
	v11 =	vcvt.f32.s32 v8  }
0xe3: {  	v13 =	vcvt.f32.s32 v15;
	v6 =	vld.idx.msk [tilespmem:v12+s24+$0x0], $0xffff;
	[tilespmem:s12+$0xFFFFFF00] =	vst v14;
	v14 =	vtrunc.f32 v20  }
0xe4: {  	s13 =	sshll.u32 s14, $0x7;
	s14 =	sadd.s32 $0x8, s14;
	v12 =	vcvt.f32.s32 v16;
	v8 =	vld.idx.msk [tilespmem:v19+s24+$0x0], $0xffff;
	[tilespmem:s12+$0xFFFFFF80] =	vst v11;
	v11 =	vcvt.f32.s32 v14  }
0xe5: {  	_ = 	snop  }
0xe6: {  	s8 =	sadd.s32 $0x380, s13  }
0xe7: {  	s14 =	sadd.s32 $0x80, s13;
	s17 =	sadd.s32 $0x100, s13;
	v3 =	vcvt.f32.s32 v3;
	v14 =	vadd.s32 s8, v1  }
0xe8: {  	[tilespmem:s12+$0x0] =	vst v13;
	s26 =	sadd.s32 $0x180, s13;
	s15 =	sadd.s32 $0x200, s13;
	v2 =	vtrunc.f32 v2;
	v45 =	vadd.s32 s14, v1;
	v46 =	vadd.s32 s17, v1  }
0xe9: {  	v10 =	vld.idx.msk [tilespmem:v10+s24+$0x0], $0xffff;
	s16 =	sadd.s32 $0x280, s13;
	[tilespmem:s12+$0x80] =	vst v12;
	v5 =	vtrunc.f32 v5;
	v15 =	vadd.s32 s26, v1;
	v47 =	vadd.s32 s15, v1  }
0xea: {  	v9 =	vld.idx.msk [tilespmem:v9+s24+$0x0], $0xffff;
	[tilespmem:s12+$0x100] =	vst v11;
	s26 =	sadd.s32 $0x300, s13;
	v48 =	vadd.s32 s16, v1;
	v2 =	vcvt.f32.s32 v2;
	v5 =	vcvt.f32.s32 v5  }
0xeb: {  	v7 =	vld.idx.msk [tilespmem:v7+s24+$0x0], $0xffff;
	s17 =	sadd.s32 $0x1000, s12;
	v4 =	vtrunc.f32 v4;
	[tilespmem:s12+$0xFFFFFE00] =	vst v3;
	v50 =	vadd.s32 s26, v1;
	v1 =	vadd.s32 s13, v1  }
0xec: {  	v3 =	vtrunc.f32 v6;
	v4 =	vcvt.f32.s32 v4;
	[tilespmem:s17+$0xFFFFFE00] =	vst v2;
	v49 =	vld.idx.msk [tilespmem:v14+s24+$0x0], $0xffff  }
0xed: {  	v8 =	vtrunc.f32 v8;
	[tilespmem:s17+$0x180] =	vst v5;
	v3 =	vcvt.f32.s32 v3;
	v13 =	vld.idx.msk [tilespmem:v45+s24+$0x0], $0xffff  }
0xee: {  	v10 =	vtrunc.f32 v10;
	[tilespmem:s17+$0xFFFFFE80] =	vst v4;
	v51 =	vcvt.f32.s32 v8;
	v53 =	vld.idx.msk [tilespmem:v46+s24+$0x0], $0xffff  }
0xef: {  	v52 =	vtrunc.f32 v9;
	[tilespmem:s17+$0xFFFFFF00] =	vst v3;
	v3 =	vcvt.f32.s32 v10;
	v54 =	vld.idx.msk [tilespmem:v15+s24+$0x0], $0xffff  }
0xf0: {  	v7 =	vtrunc.f32 v7;
	v55 =	vcvt.f32.s32 v52;
	[tilespmem:s17+$0xFFFFFF80] =	vst v51;
	v1 =	vld.idx.msk [tilespmem:v1+s24+$0x0], $0xffff  }
0xf1: {  	v7 =	vcvt.f32.s32 v7;
	v56 =	vld.idx.msk [tilespmem:v47+s24+$0x0], $0xffff;
	[tilespmem:s17+$0x0] =	vst v3;
	v57 =	vtrunc.f32 v49  }
0xf2: {  	v3 =	vld.idx.msk [tilespmem:v48+s24+$0x0], $0xffff;
	[tilespmem:s17+$0x80] =	vst v55;
	v59 =	vtrunc.f32 v13;
	v4 =	vcvt.f32.s32 v57  }
0xf3: {  	s8 =	sadd.s32 $0x1000, s17;
	v58 =	vld.idx.msk [tilespmem:v50+s24+$0x0], $0xffff;
	[tilespmem:s17+$0x100] =	vst v7;
	v2 =	vtrunc.f32 v53;
	v6 =	vcvt.f32.s32 v59  }
0xf4: {  	v60 =	vtrunc.f32 v54;
	v2 =	vcvt.f32.s32 v2;
	[tilespmem:s8+$0x180] =	vst v4  }
0xf5: {  	s11 =	sadd.s32 $0x1, s11;
	v62 =	vcvt.f32.s32 v60;
	v1 =	vtrunc.f32 v1;
	[tilespmem:s8+$0xFFFFFE80] =	vst v6  }
0xf6: {  	p1 =	sne.s32 s11, $0x20;
	v61 =	vtrunc.f32 v56;
	v1 =	vcvt.f32.s32 v1;
	[tilespmem:s8+$0xFFFFFF00] =	vst v2  }
.Ltmp9:
0xf7: {  	v3 =	vtrunc.f32 v3;
	v2 =	vcvt.f32.s32 v61;
	[tilespmem:s8+$0xFFFFFF80] =	vst v62;
	(pc) =	sbr.rel @p1 .LBB2_13-.Ltmp9, $4  }
0xf8: {  	v63 =	vtrunc.f32 v58;
	v3 =	vcvt.f32.s32 v3;
	[tilespmem:s8+$0xFFFFFE00] =	vst v1  }
0xf9: {  	v4 =	vcvt.f32.s32 v63;
	[tilespmem:s8+$0x0] =	vst v2  }
0xfa: {  	[tilespmem:s8+$0x80] =	vst v3  }
0xfb: {  	s10 =	sadd.s32 $0x80, s10;
	s9 =	sadd.s32 $0x1, s9;
	[tilespmem:s8+$0x100] =	vst v4  }
0xfc: {  	s9 =	simm.s32 $0x0;
	s8 =	rddreg [dreg:$0x8]  }
0xfd: {  	[hbm4b:s8+s9] =	stream.linear.scatter [tilespmem:s25], [sflag:$0x3], $0x8000, $0x38;
	[tilespmem:$0x18200] =	vst v63  }
0xfe: {  	_ =	swait.ge [sflag:s30], $0x8000  }
0xff: {  	[sflag:s30] =	ssyncset.done $0x0  }
0x100: {  	s10 =	simm.s32 $0x0;
	s11 =	simm.s32 $0x0;
	[sflag:s30] =	ssyncadd.s32 $0xFFFF8000  }
.LBB2_17:
0x101: {  	s8 =	sshll.u32 s11, $0x4  }
0x102: {  	v1 =	vld [tilespmem:s8+$0x0];
	_ =	sdelay $0x4  }
0x103: {  	v2 =	vsub.s32 v1, v0  }
0x104: {  	v1 =	vand.u32 $0x7F, v1;
	v2 =	vand.u32 $0xFFFFFF80, v2  }
0x105: {  	s14 =	simm.s32 $0x2380;
	v1 =	vor.u32 v1, v2  }
0x106: {  	s12 =	simm.s32 $0x2000;
	v2 =	vadd.s32 s14, v1  }
0x107: {  	s15 =	simm.s32 $0x2080;
	v3 =	vadd.s32 s12, v1  }
0x108: {  	s16 =	simm.s32 $0x2100;
	v4 =	vadd.s32 s15, v1  }
0x109: {  	s17 =	simm.s32 $0x2180;
	v5 =	vadd.s32 s16, v1  }
0x10a: {  	s26 =	simm.s32 $0x2200;
	v6 =	vadd.s32 s17, v1  }
0x10b: {  	s13 =	simm.s32 $0x2280;
	v7 =	vadd.s32 s26, v1;
	v2 =	vld.idx.msk [tilespmem:v2+s24+$0x0], $0xffff  }
0x10c: {  	v8 =	vadd.s32 s13, v1;
	s14 =	simm.s32 $0x2300;
	v3 =	vld.idx.msk [tilespmem:v3+s24+$0x0], $0xffff  }
0x10d: {  	v10 =	vadd.s32 s14, v1;
	v4 =	vld.idx.msk [tilespmem:v4+s24+$0x0], $0xffff  }
0x10e: {  	s15 =	simm.s32 $0x2780;
	v5 =	vld.idx.msk [tilespmem:v5+s24+$0x0], $0xffff  }
0x10f: {  	s16 =	simm.s32 $0x2400;
	v12 =	vadd.s32 s15, v1;
	v11 =	vld.idx.msk [tilespmem:v6+s24+$0x0], $0xffff  }
0x110: {  	s17 =	sshll.u32 s10, $0x2;
	s13 =	sand.u32 $0x7, s9;
	s26 =	simm.s32 $0x2480;
	v13 =	vadd.s32 s16, v1;
	v15 =	vld.idx.msk [tilespmem:v7+s24+$0x0], $0xffff  }
0x111: {  	s8 =	sand.u32 $0xFFFFF000, s17;
	s13 =	sshll.u32 s13, $0x6;
	s14 =	simm.s32 $0x2500;
	v16 =	vadd.s32 s26, v1;
	v17 =	vld.idx.msk [tilespmem:v8+s24+$0x0], $0xffff;
	v2 =	vtrunc.f32 v2  }
0x112: {  	s15 =	simm.s32 $0x2580;
	s8 =	sor.u32 s13, s8;
	v8 =	vadd.s32 s14, v1;
	v10 =	vld.idx.msk [tilespmem:v10+s24+$0x0], $0xffff;
	v3 =	vtrunc.f32 v3;
	v14 =	vtrunc.f32 v4  }
0x113: {  	s16 =	simm.s32 $0x2600;
	v9 =	vadd.s32 s15, v1;
	s8 =	sshrl.u32 s8, $0x2;
	v18 =	vtrunc.f32 v5;
	v2 =	vcvt.f32.s32 v2  }
0x114: {  	s17 =	simm.s32 $0x2680;
	s12 =	sadd.s32 $0x10400, s8;
	v6 =	vadd.s32 s16, v1;
	v7 =	vld.idx.msk [tilespmem:v12+s24+$0x0], $0xffff;
	v12 =	vtrunc.f32 v11;
	v19 =	vcvt.f32.s32 v3  }
0x115: {  	s26 =	simm.s32 $0x2700;
	v4 =	vld.idx.msk [tilespmem:v13+s24+$0x0], $0xffff;
	v11 =	vtrunc.f32 v15;
	v3 =	vadd.s32 s17, v1;
	v14 =	vcvt.f32.s32 v14;
	[tilespmem:s12+$0x180] =	vst v2  }
0x116: {  	s13 =	simm.s32 $0x8;
	v5 =	vld.idx.msk [tilespmem:v16+s24+$0x0], $0xffff;
	v13 =	vtrunc.f32 v17;
	v15 =	vcvt.f32.s32 v18;
	v2 =	vadd.s32 s26, v1;
	[tilespmem:s12+$0xFFFFFE00] =	vst v19  }
.LBB2_18:
0x117: {  	s8 =	sshll.u32 s13, $0x7;
	s13 =	sadd.s32 $0x8, s13;
	v16 =	vld.idx.msk [tilespmem:v8+s24+$0x0], $0xffff;
	[tilespmem:s12+$0xFFFFFE80] =	vst v14;
	v8 =	vcvt.f32.s32 v12;
	v10 =	vtrunc.f32 v10  }
0x118: {  	s14 =	sadd.s32 $0x2400, s8;
	s15 =	sadd.s32 $0x2780, s8;
	p1 =	slt.u32 s13, $0x38;
	v12 =	vld.idx.msk [tilespmem:v9+s24+$0x0], $0xffff;
	[tilespmem:s12+$0xFFFFFF00] =	vst v15;
	v9 =	vcvt.f32.s32 v11;
	v11 =	vcvt.f32.s32 v13  }
0x119: {  	s16 =	sadd.s32 $0x2500, s8;
	s17 =	sadd.s32 $0x2580, s8;
	v17 =	vcvt.f32.s32 v10;
	v13 =	vadd.s32 s14, v1;
	s14 =	sadd.s32 $0x2480, s8;
	v14 =	vadd.s32 s15, v1;
	v15 =	vld.idx.msk [tilespmem:v6+s24+$0x0], $0xffff;
	[tilespmem:s12+$0xFFFFFF80] =	vst v8  }
0x11a: {  	v8 =	vadd.s32 s16, v1;
	s15 =	sadd.s32 $0x2680, s8;
	v18 =	vadd.s32 s14, v1;
	s14 =	sadd.s32 $0x2600, s8;
	s8 =	sadd.s32 $0x2700, s8;
	v19 =	vld.idx.msk [tilespmem:v3+s24+$0x0], $0xffff;
	v3 =	vtrunc.f32 v7;
	[tilespmem:s12+$0x0] =	vst v9  }
0x11b: {  	v9 =	vadd.s32 s17, v1;
	v6 =	vadd.s32 s14, v1;
	v10 =	vld.idx.msk [tilespmem:v2+s24+$0x0], $0xffff;
	v7 =	vcvt.f32.s32 v3;
	[tilespmem:s12+$0x80] =	vst v11  }
.Ltmp10:
0x11c: {  	v4 =	vtrunc.f32 v4;
	v3 =	vadd.s32 s15, v1;
	v2 =	vadd.s32 s8, v1;
	[tilespmem:s12+$0x100] =	vst v17;
	s12 =	sadd.s32 $0x1000, s12;
	(pc) =	sbr.rel @p1 .LBB2_18-.Ltmp10, $4  }
0x11d: {  	v5 =	vtrunc.f32 v5;
	v16 =	vtrunc.f32 v16;
	[tilespmem:s12+$0x180] =	vst v7  }
0x11e: {  	v17 =	vcvt.f32.s32 v4;
	v12 =	vtrunc.f32 v12;
	v7 =	vld.idx.msk [tilespmem:v14+s24+$0x0], $0xffff  }
0x11f: {  	v14 =	vcvt.f32.s32 v5;
	v11 =	vtrunc.f32 v15;
	v4 =	vld.idx.msk [tilespmem:v13+s24+$0x0], $0xffff  }
0x120: {  	v15 =	vcvt.f32.s32 v16;
	v13 =	vtrunc.f32 v19;
	v5 =	vld.idx.msk [tilespmem:v18+s24+$0x0], $0xffff;
	[tilespmem:s12+$0xFFFFFE00] =	vst v17  }
0x121: {  	_ =	sdelay $0x2  }
0x122: {  	[tilespmem:s12+$0xFFFFFE80] =	vst v14;
	v1 =	vcvt.f32.s32 v12  }
0x123: {  	v8 =	vld.idx.msk [tilespmem:v8+s24+$0x0], $0xffff;
	v11 =	vcvt.f32.s32 v11;
	[tilespmem:s12+$0xFFFFFF00] =	vst v15  }
0x124: {  	v10 =	vtrunc.f32 v10;
	v9 =	vld.idx.msk [tilespmem:v9+s24+$0x0], $0xffff;
	v58 =	vcvt.f32.s32 v13;
	[tilespmem:s12+$0xFFFFFF80] =	vst v1  }
0x125: {  	v3 =	vld.idx.msk [tilespmem:v3+s24+$0x0], $0xffff;
	v59 =	vcvt.f32.s32 v10;
	v7 =	vtrunc.f32 v7;
	[tilespmem:s12+$0x0] =	vst v11  }
0x126: {  	v2 =	vld.idx.msk [tilespmem:v2+s24+$0x0], $0xffff;
	[tilespmem:s12+$0x80] =	vst v58;
	v7 =	vcvt.f32.s32 v7;
	v4 =	vtrunc.f32 v4  }
0x127: {  	s8 =	sadd.s32 $0x1000, s12;
	v1 =	vld.idx.msk [tilespmem:v6+s24+$0x0], $0xffff;
	[tilespmem:s12+$0x100] =	vst v59;
	v5 =	vtrunc.f32 v5;
	v4 =	vcvt.f32.s32 v4  }
0x128: {  	v60 =	vtrunc.f32 v8;
	[tilespmem:s8+$0x180] =	vst v7;
	v5 =	vcvt.f32.s32 v5  }
0x129: {  	s11 =	sadd.s32 $0x1, s11;
	v61 =	vtrunc.f32 v9;
	[tilespmem:s8+$0xFFFFFE00] =	vst v4;
	v62 =	vcvt.f32.s32 v60  }
0x12a: {  	p1 =	sne.s32 s11, $0x20;
	v3 =	vtrunc.f32 v3;
	v63 =	vcvt.f32.s32 v61;
	[tilespmem:s8+$0xFFFFFE80] =	vst v5  }
.Ltmp11:
0x12b: {  	v2 =	vtrunc.f32 v2;
	v3 =	vcvt.f32.s32 v3;
	[tilespmem:s8+$0xFFFFFF00] =	vst v62;
	(pc) =	sbr.rel @p1 .LBB2_17-.Ltmp11, $4  }
0x12c: {  	v2 =	vcvt.f32.s32 v2;
	v1 =	vtrunc.f32 v1;
	[tilespmem:s8+$0xFFFFFF80] =	vst v63  }
0x12d: {  	v1 =	vcvt.f32.s32 v1;
	[tilespmem:s8+$0x80] =	vst v3  }
0x12e: {  	[tilespmem:s8+$0x100] =	vst v2  }
0x12f: {  	s10 =	sadd.s32 $0x80, s10;
	s9 =	sadd.s32 $0x1, s9;
	[tilespmem:s8+$0x0] =	vst v1  }
0x130: {  	s8 =	rddreg [dreg:$0x9]  }
0x131: {  	s9 =	simm.s32 $0x0;
	s26 =	rddreg [dreg:$0xa]  }
0x132: {  	[hbm4b:s8+s9] =	stream.linear.scatter [tilespmem:s18], [sflag:$0x4], $0x8000, $0x38;
	[tilespmem:$0x18200] =	vst v63  }
0x133: {  	s7 =	sadd.s32 s26, s7  }
0x134: {  	s7 =	sshrl.u32 s7, $0x3  }
0x135: {  	s7 =	sadd.s32 s1, s7  }
0x136: {  	[tilespmem:s24], [sflag:$0x2] =	stream.strided.gather [hbm4b:s7+s21], $0x4000, s22, s21, $0x38;
	[tilespmem:$0x18200] =	vst v63  }
0x137: {  	_ =	swait.ge [sflag:s20], $0x4000  }
0x138: {  	[sflag:s20] =	ssyncset.done $0x0  }
0x139: {  	[sflag:s20] =	ssyncadd.s32 $0xFFFFC000  }
0x13a: {  	_ =	swait.ge [sflag:s29], $0x8000  }
0x13b: {  	[sflag:s29] =	ssyncset.done $0x0  }
0x13c: {  	s10 =	simm.s32 $0x0;
	s7 =	simm.s32 $0x0;
	[sflag:s29] =	ssyncadd.s32 $0xFFFF8000  }
.LBB2_21:
0x13d: {  	s8 =	sshll.u32 s10, $0x4  }
0x13e: {  	v1 =	vld [tilespmem:s8+$0x0];
	_ =	sdelay $0x4  }
0x13f: {  	v2 =	vsub.s32 v1, v0  }
0x140: {  	v1 =	vand.u32 $0x7F, v1;
	v2 =	vand.u32 $0xFFFFFF80, v2  }
0x141: {  	s17 =	simm.s32 $0x0;
	v1 =	vor.u32 v1, v2  }
0x142: {  	s26 =	simm.s32 $0x380;
	v2 =	vadd.s32 s17, v1  }
0x143: {  	s11 =	simm.s32 $0x80;
	v3 =	vadd.s32 s26, v1  }
0x144: {  	s12 =	simm.s32 $0x180;
	v4 =	vadd.s32 s11, v1  }
0x145: {  	s11 =	simm.s32 $0x100;
	v6 =	vadd.s32 s12, v1  }
0x146: {  	s13 =	simm.s32 $0x200;
	v5 =	vadd.s32 s11, v1  }
0x147: {  	s14 =	simm.s32 $0x280;
	v7 =	vadd.s32 s13, v1;
	v2 =	vld.idx.msk [tilespmem:v2+s23+$0x0], $0xffff  }
0x148: {  	s15 =	simm.s32 $0x300;
	v8 =	vadd.s32 s14, v1;
	v3 =	vld.idx.msk [tilespmem:v3+s23+$0x0], $0xffff  }
0x149: {  	v9 =	vadd.s32 s15, v1;
	v4 =	vld.idx.msk [tilespmem:v4+s23+$0x0], $0xffff  }
0x14a: {  	s16 =	simm.s32 $0x400;
	v6 =	vld.idx.msk [tilespmem:v6+s23+$0x0], $0xffff  }
0x14b: {  	v10 =	vadd.s32 s16, v1;
	s17 =	simm.s32 $0x780;
	v5 =	vld.idx.msk [tilespmem:v5+s23+$0x0], $0xffff  }
0x14c: {  	s26 =	sshll.u32 s7, $0x2;
	s12 =	sand.u32 $0x7, s9;
	s13 =	simm.s32 $0x480;
	v11 =	vadd.s32 s17, v1;
	v7 =	vld.idx.msk [tilespmem:v7+s23+$0x0], $0xffff  }
0x14d: {  	s15 =	simm.s32 $0x580;
	s11 =	sand.u32 $0xFFFFF000, s26;
	s12 =	sshll.u32 s12, $0x6;
	v12 =	vadd.s32 s13, v1;
	v8 =	vld.idx.msk [tilespmem:v8+s23+$0x0], $0xffff;
	v13 =	vtrunc.f32 v3  }
0x14e: {  	s14 =	simm.s32 $0x500;
	v16 =	vadd.s32 s15, v1;
	s8 =	sor.u32 s12, s11;
	v15 =	vld.idx.msk [tilespmem:v9+s23+$0x0], $0xffff;
	v3 =	vtrunc.f32 v2;
	v4 =	vtrunc.f32 v4  }
0x14f: {  	s16 =	simm.s32 $0x600;
	v14 =	vadd.s32 s14, v1;
	s8 =	sshrl.u32 s8, $0x2;
	v6 =	vtrunc.f32 v6;
	v9 =	vcvt.f32.s32 v13  }
0x150: {  	s17 =	simm.s32 $0x680;
	s11 =	sadd.s32 $0x8400, s8;
	v2 =	vld.idx.msk [tilespmem:v10+s23+$0x0], $0xffff;
	v10 =	vadd.s32 s16, v1;
	v13 =	vtrunc.f32 v5;
	v17 =	vcvt.f32.s32 v4  }
0x151: {  	s26 =	simm.s32 $0x700;
	v7 =	vtrunc.f32 v7;
	v5 =	vld.idx.msk [tilespmem:v11+s23+$0x0], $0xffff;
	v11 =	vcvt.f32.s32 v13;
	[tilespmem:s11+$0x180] =	vst v9;
	v9 =	vadd.s32 s17, v1  }
0x152: {  	v4 =	vld.idx.msk [tilespmem:v12+s23+$0x0], $0xffff;
	v12 =	vcvt.f32.s32 v6;
	v13 =	vcvt.f32.s32 v7;
	v7 =	vadd.s32 s26, v1;
	[tilespmem:s11+$0xFFFFFE80] =	vst v17  }
0x153: {  	v63 =	vtrunc.f32 v8;
	v8 =	vld.idx.msk [tilespmem:v16+s23+$0x0], $0xffff;
	[tilespmem:s11+$0xFFFFFF00] =	vst v11;
	v11 =	vtrunc.f32 v15  }
0x154: {  	s13 =	simm.s32 $0x18;
	s12 =	simm.s32 $0x800;
	v6 =	vld.idx.msk [tilespmem:v14+s23+$0x0], $0xffff;
	[tilespmem:s11+$0xFFFFFF80] =	vst v12;
	v12 =	vcvt.f32.s32 v63;
	v11 =	vcvt.f32.s32 v11  }
.LBB2_22:
0x155: {  	p1 =	slt.u32 s13, $0x38;
	v14 =	vadd.s32 s12, v1;
	s8 =	sadd.s32 $0x80, s12;
	s14 =	sadd.s32 $0x380, s12;
	v15 =	vld.idx.msk [tilespmem:v10+s23+$0x0], $0xffff;
	v16 =	vcvt.f32.s32 v3;
	[tilespmem:s11+$0x0] =	vst v13  }
0x156: {  	s15 =	sadd.s32 $0x180, s12;
	s16 =	sadd.s32 $0x200, s12;
	v3 =	vtrunc.f32 v2;
	v13 =	vadd.s32 s8, v1;
	s8 =	sadd.s32 $0x100, s12;
	v17 =	vadd.s32 s14, v1;
	v18 =	vld.idx.msk [tilespmem:v9+s23+$0x0], $0xffff;
	[tilespmem:s11+$0x80] =	vst v12  }
0x157: {  	v19 =	vadd.s32 s15, v1;
	v2 =	vtrunc.f32 v5;
	v12 =	vadd.s32 s8, v1;
	s8 =	sadd.s32 $0x280, s12;
	s12 =	sadd.s32 $0x300, s12;
	v20 =	vld.idx.msk [tilespmem:v7+s23+$0x0], $0xffff;
	[tilespmem:s11+$0x100] =	vst v11  }
0x158: {  	v10 =	vadd.s32 s16, v1;
	v5 =	vcvt.f32.s32 v2;
	v9 =	vadd.s32 s8, v1;
	[tilespmem:s11+$0xFFFFFE00] =	vst v16  }
0x159: {  	v4 =	vtrunc.f32 v4;
	v7 =	vadd.s32 s12, v1;
	v6 =	vtrunc.f32 v6;
	s11 =	sadd.s32 $0x1000, s11  }
.Ltmp12:
0x15a: {  	v11 =	vcvt.f32.s32 v4;
	v8 =	vtrunc.f32 v8;
	v2 =	vld.idx.msk [tilespmem:v14+s23+$0x0], $0xffff;
	[tilespmem:s11+$0x180] =	vst v5;
	(pc) =	sbr.rel @p1 .LBB2_22-.Ltmp12, $4  }
0x15b: {  	v14 =	vcvt.f32.s32 v6;
	v15 =	vtrunc.f32 v15;
	v5 =	vld.idx.msk [tilespmem:v17+s23+$0x0], $0xffff  }
0x15c: {  	v16 =	vtrunc.f32 v18;
	v4 =	vld.idx.msk [tilespmem:v13+s23+$0x0], $0xffff;
	[tilespmem:s11+$0xFFFFFE80] =	vst v11;
	v11 =	vcvt.f32.s32 v8  }
0x15d: {  	v13 =	vcvt.f32.s32 v15;
	v6 =	vld.idx.msk [tilespmem:v12+s23+$0x0], $0xffff;
	[tilespmem:s11+$0xFFFFFF00] =	vst v14;
	v14 =	vtrunc.f32 v20  }
0x15e: {  	s12 =	sshll.u32 s13, $0x7;
	s13 =	sadd.s32 $0x8, s13;
	v12 =	vcvt.f32.s32 v16;
	v8 =	vld.idx.msk [tilespmem:v19+s23+$0x0], $0xffff;
	[tilespmem:s11+$0xFFFFFF80] =	vst v11;
	v11 =	vcvt.f32.s32 v14  }
0x15f: {  	_ =	sdelay $0x1  }
0x160: {  	s8 =	sadd.s32 $0x380, s12  }
0x161: {  	s13 =	sadd.s32 $0x80, s12;
	v3 =	vcvt.f32.s32 v3;
	v14 =	vadd.s32 s8, v1  }
0x162: {  	v10 =	vld.idx.msk [tilespmem:v10+s23+$0x0], $0xffff;
	[tilespmem:s11+$0x0] =	vst v13;
	s14 =	sadd.s32 $0x180, s12;
	s15 =	sadd.s32 $0x200, s12;
	s16 =	sadd.s32 $0x280, s12;
	v2 =	vtrunc.f32 v2;
	v45 =	vadd.s32 s13, v1;
	v5 =	vtrunc.f32 v5  }
0x163: {  	s26 =	sadd.s32 $0x300, s12;
	s13 =	sadd.s32 $0x100, s12;
	[tilespmem:s11+$0x80] =	vst v12;
	v15 =	vadd.s32 s14, v1;
	v47 =	vadd.s32 s15, v1;
	v48 =	vadd.s32 s16, v1  }
0x164: {  	v9 =	vld.idx.msk [tilespmem:v9+s23+$0x0], $0xffff;
	[tilespmem:s11+$0x100] =	vst v11;
	v50 =	vadd.s32 s26, v1;
	v2 =	vcvt.f32.s32 v2;
	v46 =	vadd.s32 s13, v1  }
0x165: {  	v7 =	vld.idx.msk [tilespmem:v7+s23+$0x0], $0xffff;
	s17 =	sadd.s32 $0x1000, s11;
	v5 =	vcvt.f32.s32 v5;
	v4 =	vtrunc.f32 v4;
	[tilespmem:s11+$0xFFFFFE00] =	vst v3;
	v1 =	vadd.s32 s12, v1  }
0x166: {  	v3 =	vtrunc.f32 v6;
	v4 =	vcvt.f32.s32 v4;
	[tilespmem:s17+$0xFFFFFE00] =	vst v2;
	v49 =	vld.idx.msk [tilespmem:v14+s23+$0x0], $0xffff  }
0x167: {  	v8 =	vtrunc.f32 v8;
	[tilespmem:s17+$0x180] =	vst v5;
	v3 =	vcvt.f32.s32 v3;
	v13 =	vld.idx.msk [tilespmem:v45+s23+$0x0], $0xffff  }
0x168: {  	v10 =	vtrunc.f32 v10;
	[tilespmem:s17+$0xFFFFFE80] =	vst v4;
	v51 =	vcvt.f32.s32 v8;
	v54 =	vld.idx.msk [tilespmem:v15+s23+$0x0], $0xffff  }
0x169: {  	v52 =	vtrunc.f32 v9;
	[tilespmem:s17+$0xFFFFFF00] =	vst v3;
	v3 =	vcvt.f32.s32 v10;
	v53 =	vld.idx.msk [tilespmem:v46+s23+$0x0], $0xffff  }
0x16a: {  	v7 =	vtrunc.f32 v7;
	v55 =	vcvt.f32.s32 v52;
	[tilespmem:s17+$0xFFFFFF80] =	vst v51;
	v1 =	vld.idx.msk [tilespmem:v1+s23+$0x0], $0xffff  }
0x16b: {  	v7 =	vcvt.f32.s32 v7;
	[tilespmem:s17+$0x0] =	vst v3;
	v3 =	vld.idx.msk [tilespmem:v48+s23+$0x0], $0xffff;
	v57 =	vtrunc.f32 v49  }
0x16c: {  	v58 =	vld.idx.msk [tilespmem:v50+s23+$0x0], $0xffff;
	[tilespmem:s17+$0x80] =	vst v55;
	v59 =	vtrunc.f32 v13;
	v4 =	vcvt.f32.s32 v57  }
0x16d: {  	s8 =	sadd.s32 $0x1000, s17;
	v56 =	vld.idx.msk [tilespmem:v47+s23+$0x0], $0xffff;
	[tilespmem:s17+$0x100] =	vst v7;
	v60 =	vtrunc.f32 v54;
	v6 =	vcvt.f32.s32 v59  }
0x16e: {  	v2 =	vtrunc.f32 v53;
	v62 =	vcvt.f32.s32 v60;
	[tilespmem:s8+$0x180] =	vst v4  }
0x16f: {  	s10 =	sadd.s32 $0x1, s10;
	v1 =	vtrunc.f32 v1;
	v2 =	vcvt.f32.s32 v2;
	[tilespmem:s8+$0xFFFFFE80] =	vst v6  }
0x170: {  	p1 =	sne.s32 s10, $0x20;
	v3 =	vtrunc.f32 v3;
	v1 =	vcvt.f32.s32 v1;
	[tilespmem:s8+$0xFFFFFF80] =	vst v62  }
.Ltmp13:
0x171: {  	v63 =	vtrunc.f32 v58;
	v3 =	vcvt.f32.s32 v3;
	[tilespmem:s8+$0xFFFFFF00] =	vst v2;
	(pc) =	sbr.rel @p1 .LBB2_21-.Ltmp13, $4  }
0x172: {  	v61 =	vtrunc.f32 v56;
	v4 =	vcvt.f32.s32 v63;
	[tilespmem:s8+$0xFFFFFE00] =	vst v1  }
0x173: {  	v2 =	vcvt.f32.s32 v61;
	[tilespmem:s8+$0x80] =	vst v3  }
0x174: {  	[tilespmem:s8+$0x100] =	vst v4  }
0x175: {  	s7 =	sadd.s32 $0x80, s7;
	s9 =	sadd.s32 $0x1, s9;
	[tilespmem:s8+$0x0] =	vst v2  }
0x176: {  	s7 =	simm.s32 $0x0;
	s8 =	rddreg [dreg:$0xb]  }
0x177: {  	[hbm4b:s8+s7] =	stream.linear.scatter [tilespmem:s25], [sflag:$0x3], $0x8000, $0x38;
	[tilespmem:$0x18200] =	vst v63  }
0x178: {  	_ =	swait.ge [sflag:s30], $0x8000  }
0x179: {  	[sflag:s30] =	ssyncset.done $0x0  }
0x17a: {  	s9 =	simm.s32 $0x0;
	s10 =	simm.s32 $0x0;
	[sflag:s30] =	ssyncadd.s32 $0xFFFF8000  }
.LBB2_25:
0x17b: {  	s8 =	sshll.u32 s10, $0x4  }
0x17c: {  	v1 =	vld [tilespmem:s8+$0x0];
	_ =	sdelay $0x4  }
0x17d: {  	v2 =	vsub.s32 v1, v0  }
0x17e: {  	v1 =	vand.u32 $0x7F, v1;
	v2 =	vand.u32 $0xFFFFFF80, v2  }
0x17f: {  	s26 =	simm.s32 $0x2380;
	v1 =	vor.u32 v1, v2  }
0x180: {  	s11 =	simm.s32 $0x2000;
	v2 =	vadd.s32 s26, v1  }
0x181: {  	s12 =	simm.s32 $0x2100;
	v3 =	vadd.s32 s11, v1  }
0x182: {  	s13 =	simm.s32 $0x2180;
	v5 =	vadd.s32 s12, v1  }
0x183: {  	s11 =	simm.s32 $0x2080;
	v6 =	vadd.s32 s13, v1  }
0x184: {  	s14 =	simm.s32 $0x2200;
	v4 =	vadd.s32 s11, v1  }
0x185: {  	s15 =	simm.s32 $0x2280;
	v7 =	vadd.s32 s14, v1;
	v2 =	vld.idx.msk [tilespmem:v2+s23+$0x0], $0xffff  }
0x186: {  	s16 =	simm.s32 $0x2300;
	v8 =	vadd.s32 s15, v1;
	v3 =	vld.idx.msk [tilespmem:v3+s23+$0x0], $0xffff  }
0x187: {  	s17 =	simm.s32 $0x2780;
	v10 =	vadd.s32 s16, v1;
	v5 =	vld.idx.msk [tilespmem:v5+s23+$0x0], $0xffff  }
0x188: {  	v12 =	vadd.s32 s17, v1;
	v11 =	vld.idx.msk [tilespmem:v6+s23+$0x0], $0xffff  }
0x189: {  	s14 =	simm.s32 $0x2480;
	v4 =	vld.idx.msk [tilespmem:v4+s23+$0x0], $0xffff  }
0x18a: {  	s26 =	simm.s32 $0x2400;
	s13 =	sshll.u32 s9, $0x2;
	s12 =	sand.u32 $0x7, s7;
	v16 =	vadd.s32 s14, v1;
	v15 =	vld.idx.msk [tilespmem:v7+s23+$0x0], $0xffff  }
0x18b: {  	v13 =	vadd.s32 s26, v1;
	s8 =	sand.u32 $0xFFFFF000, s13;
	s12 =	sshll.u32 s12, $0x6;
	s13 =	simm.s32 $0x2500;
	v17 =	vld.idx.msk [tilespmem:v8+s23+$0x0], $0xffff;
	v2 =	vtrunc.f32 v2  }
0x18c: {  	s15 =	simm.s32 $0x2580;
	s8 =	sor.u32 s12, s8;
	v8 =	vadd.s32 s13, v1;
	v10 =	vld.idx.msk [tilespmem:v10+s23+$0x0], $0xffff;
	v3 =	vtrunc.f32 v3;
	v18 =	vtrunc.f32 v5  }
0x18d: {  	s16 =	simm.s32 $0x2600;
	v9 =	vadd.s32 s15, v1;
	s8 =	sshrl.u32 s8, $0x2;
	v7 =	vld.idx.msk [tilespmem:v12+s23+$0x0], $0xffff;
	v12 =	vtrunc.f32 v11;
	v2 =	vcvt.f32.s32 v2  }
0x18e: {  	s17 =	simm.s32 $0x2680;
	s11 =	sadd.s32 $0x10400, s8;
	v6 =	vadd.s32 s16, v1;
	v14 =	vtrunc.f32 v4;
	v19 =	vcvt.f32.s32 v3  }
0x18f: {  	s26 =	simm.s32 $0x2700;
	v11 =	vtrunc.f32 v15;
	v5 =	vld.idx.msk [tilespmem:v16+s23+$0x0], $0xffff;
	v3 =	vadd.s32 s17, v1;
	v14 =	vcvt.f32.s32 v14;
	[tilespmem:s11+$0x180] =	vst v2  }
0x190: {  	s12 =	simm.s32 $0x8;
	v4 =	vld.idx.msk [tilespmem:v13+s23+$0x0], $0xffff;
	v15 =	vcvt.f32.s32 v18;
	v13 =	vtrunc.f32 v17;
	v2 =	vadd.s32 s26, v1;
	[tilespmem:s11+$0xFFFFFE00] =	vst v19  }
.LBB2_26:
0x191: {  	s8 =	sshll.u32 s12, $0x7;
	s12 =	sadd.s32 $0x8, s12;
	v16 =	vld.idx.msk [tilespmem:v8+s23+$0x0], $0xffff;
	[tilespmem:s11+$0xFFFFFE80] =	vst v14;
	v8 =	vcvt.f32.s32 v12;
	v10 =	vtrunc.f32 v10  }
0x192: {  	s13 =	sadd.s32 $0x2400, s8;
	s14 =	sadd.s32 $0x2780, s8;
	p1 =	slt.u32 s12, $0x38;
	v12 =	vld.idx.msk [tilespmem:v9+s23+$0x0], $0xffff;
	[tilespmem:s11+$0xFFFFFF00] =	vst v15;
	v9 =	vcvt.f32.s32 v11;
	v11 =	vcvt.f32.s32 v13  }
0x193: {  	s15 =	sadd.s32 $0x2500, s8;
	s16 =	sadd.s32 $0x2580, s8;
	v17 =	vcvt.f32.s32 v10;
	v13 =	vadd.s32 s13, v1;
	s13 =	sadd.s32 $0x2480, s8;
	v14 =	vadd.s32 s14, v1;
	v15 =	vld.idx.msk [tilespmem:v6+s23+$0x0], $0xffff;
	[tilespmem:s11+$0xFFFFFF80] =	vst v8  }
0x194: {  	v8 =	vadd.s32 s15, v1;
	s14 =	sadd.s32 $0x2680, s8;
	v18 =	vadd.s32 s13, v1;
	s13 =	sadd.s32 $0x2600, s8;
	s8 =	sadd.s32 $0x2700, s8;
	v19 =	vld.idx.msk [tilespmem:v3+s23+$0x0], $0xffff;
	v3 =	vtrunc.f32 v7;
	[tilespmem:s11+$0x0] =	vst v9  }
0x195: {  	v9 =	vadd.s32 s16, v1;
	v6 =	vadd.s32 s13, v1;
	v10 =	vld.idx.msk [tilespmem:v2+s23+$0x0], $0xffff;
	v7 =	vcvt.f32.s32 v3;
	[tilespmem:s11+$0x80] =	vst v11  }
.Ltmp14:
0x196: {  	v4 =	vtrunc.f32 v4;
	v3 =	vadd.s32 s14, v1;
	v2 =	vadd.s32 s8, v1;
	[tilespmem:s11+$0x100] =	vst v17;
	s11 =	sadd.s32 $0x1000, s11;
	(pc) =	sbr.rel @p1 .LBB2_26-.Ltmp14, $4  }
0x197: {  	v5 =	vtrunc.f32 v5;
	v16 =	vtrunc.f32 v16;
	[tilespmem:s11+$0x180] =	vst v7  }
0x198: {  	v17 =	vcvt.f32.s32 v4;
	v12 =	vtrunc.f32 v12;
	v7 =	vld.idx.msk [tilespmem:v14+s23+$0x0], $0xffff  }
0x199: {  	v14 =	vcvt.f32.s32 v5;
	v11 =	vtrunc.f32 v15;
	v4 =	vld.idx.msk [tilespmem:v13+s23+$0x0], $0xffff  }
0x19a: {  	v15 =	vcvt.f32.s32 v16;
	v13 =	vtrunc.f32 v19;
	v5 =	vld.idx.msk [tilespmem:v18+s23+$0x0], $0xffff;
	[tilespmem:s11+$0xFFFFFE00] =	vst v17  }
0x19b: {  	_ =	sdelay $0x2  }
0x19c: {  	[tilespmem:s11+$0xFFFFFE80] =	vst v14;
	v1 =	vcvt.f32.s32 v12  }
0x19d: {  	v8 =	vld.idx.msk [tilespmem:v8+s23+$0x0], $0xffff;
	v11 =	vcvt.f32.s32 v11;
	[tilespmem:s11+$0xFFFFFF00] =	vst v15  }
0x19e: {  	v10 =	vtrunc.f32 v10;
	v9 =	vld.idx.msk [tilespmem:v9+s23+$0x0], $0xffff;
	v58 =	vcvt.f32.s32 v13;
	[tilespmem:s11+$0xFFFFFF80] =	vst v1  }
0x19f: {  	v3 =	vld.idx.msk [tilespmem:v3+s23+$0x0], $0xffff;
	v59 =	vcvt.f32.s32 v10;
	v7 =	vtrunc.f32 v7;
	[tilespmem:s11+$0x0] =	vst v11  }
0x1a0: {  	v2 =	vld.idx.msk [tilespmem:v2+s23+$0x0], $0xffff;
	[tilespmem:s11+$0x80] =	vst v58;
	v7 =	vcvt.f32.s32 v7;
	v4 =	vtrunc.f32 v4  }
0x1a1: {  	s8 =	sadd.s32 $0x1000, s11;
	v1 =	vld.idx.msk [tilespmem:v6+s23+$0x0], $0xffff;
	[tilespmem:s11+$0x100] =	vst v59;
	v5 =	vtrunc.f32 v5;
	v4 =	vcvt.f32.s32 v4  }
0x1a2: {  	v60 =	vtrunc.f32 v8;
	[tilespmem:s8+$0x180] =	vst v7;
	v5 =	vcvt.f32.s32 v5  }
0x1a3: {  	s10 =	sadd.s32 $0x1, s10;
	v61 =	vtrunc.f32 v9;
	[tilespmem:s8+$0xFFFFFE00] =	vst v4;
	v62 =	vcvt.f32.s32 v60  }
0x1a4: {  	p1 =	sne.s32 s10, $0x20;
	v3 =	vtrunc.f32 v3;
	v63 =	vcvt.f32.s32 v61;
	[tilespmem:s8+$0xFFFFFE80] =	vst v5  }
.Ltmp15:
0x1a5: {  	v2 =	vtrunc.f32 v2;
	v3 =	vcvt.f32.s32 v3;
	[tilespmem:s8+$0xFFFFFF00] =	vst v62;
	(pc) =	sbr.rel @p1 .LBB2_25-.Ltmp15, $4  }
0x1a6: {  	v2 =	vcvt.f32.s32 v2;
	v1 =	vtrunc.f32 v1;
	[tilespmem:s8+$0xFFFFFF80] =	vst v63  }
0x1a7: {  	v1 =	vcvt.f32.s32 v1;
	[tilespmem:s8+$0x80] =	vst v3  }
0x1a8: {  	[tilespmem:s8+$0x100] =	vst v2  }
0x1a9: {  	s9 =	sadd.s32 $0x80, s9;
	s7 =	sadd.s32 $0x1, s7;
	[tilespmem:s8+$0x0] =	vst v1  }
0x1aa: {  	s7 =	simm.s32 $0x0;
	s8 =	rddreg [dreg:$0xc]  }
0x1ab: {  	[hbm4b:s8+s7] =	stream.linear.scatter [tilespmem:s18], [sflag:$0x4], $0x8000, $0x38;
	[tilespmem:$0x18200] =	vst v63  }
0x1ac: {  	_ =	swait.ge [sflag:s28], $0x4000  }
0x1ad: {  	[sflag:s28] =	ssyncset.done $0x0  }
0x1ae: {  	[sflag:s28] =	ssyncadd.s32 $0xFFFFC000  }
0x1af: {  	_ =	swait.ge [sflag:s29], $0x8000  }
0x1b0: {  	[sflag:s29] =	ssyncset.done $0x0  }
0x1b1: {  	s9 =	simm.s32 $0x0;
	s10 =	simm.s32 $0x0;
	[sflag:s29] =	ssyncadd.s32 $0xFFFF8000  }
.LBB2_29:
0x1b2: {  	s8 =	sshll.u32 s10, $0x4  }
0x1b3: {  	v1 =	vld [tilespmem:s8+$0x0];
	_ =	sdelay $0x4  }
0x1b4: {  	v2 =	vsub.s32 v1, v0  }
0x1b5: {  	v1 =	vand.u32 $0x7F, v1;
	v2 =	vand.u32 $0xFFFFFF80, v2  }
0x1b6: {  	s17 =	simm.s32 $0x0;
	v1 =	vor.u32 v1, v2  }
0x1b7: {  	s26 =	simm.s32 $0x380;
	v2 =	vadd.s32 s17, v1  }
0x1b8: {  	s11 =	simm.s32 $0x80;
	v3 =	vadd.s32 s26, v1  }
0x1b9: {  	s12 =	simm.s32 $0x180;
	v4 =	vadd.s32 s11, v1  }
0x1ba: {  	s11 =	simm.s32 $0x100;
	v6 =	vadd.s32 s12, v1  }
0x1bb: {  	s13 =	simm.s32 $0x200;
	v5 =	vadd.s32 s11, v1  }
0x1bc: {  	s14 =	simm.s32 $0x280;
	v7 =	vadd.s32 s13, v1;
	v2 =	vld.idx.msk [tilespmem:v2+s24+$0x0], $0xffff  }
0x1bd: {  	s15 =	simm.s32 $0x300;
	v8 =	vadd.s32 s14, v1;
	v3 =	vld.idx.msk [tilespmem:v3+s24+$0x0], $0xffff  }
0x1be: {  	v9 =	vadd.s32 s15, v1;
	v4 =	vld.idx.msk [tilespmem:v4+s24+$0x0], $0xffff  }
0x1bf: {  	s16 =	simm.s32 $0x400;
	v6 =	vld.idx.msk [tilespmem:v6+s24+$0x0], $0xffff  }
0x1c0: {  	v10 =	vadd.s32 s16, v1;
	s17 =	simm.s32 $0x780;
	v5 =	vld.idx.msk [tilespmem:v5+s24+$0x0], $0xffff  }
0x1c1: {  	s26 =	sshll.u32 s9, $0x2;
	s12 =	sand.u32 $0x7, s7;
	s13 =	simm.s32 $0x480;
	v11 =	vadd.s32 s17, v1;
	v7 =	vld.idx.msk [tilespmem:v7+s24+$0x0], $0xffff  }
0x1c2: {  	s15 =	simm.s32 $0x580;
	s11 =	sand.u32 $0xFFFFF000, s26;
	s12 =	sshll.u32 s12, $0x6;
	v12 =	vadd.s32 s13, v1;
	v8 =	vld.idx.msk [tilespmem:v8+s24+$0x0], $0xffff;
	v13 =	vtrunc.f32 v3  }
0x1c3: {  	s14 =	simm.s32 $0x500;
	v16 =	vadd.s32 s15, v1;
	s8 =	sor.u32 s12, s11;
	v15 =	vld.idx.msk [tilespmem:v9+s24+$0x0], $0xffff;
	v3 =	vtrunc.f32 v2;
	v4 =	vtrunc.f32 v4  }
0x1c4: {  	s16 =	simm.s32 $0x600;
	v14 =	vadd.s32 s14, v1;
	s8 =	sshrl.u32 s8, $0x2;
	v6 =	vtrunc.f32 v6;
	v9 =	vcvt.f32.s32 v13  }
0x1c5: {  	s17 =	simm.s32 $0x680;
	s11 =	sadd.s32 $0x8400, s8;
	v2 =	vld.idx.msk [tilespmem:v10+s24+$0x0], $0xffff;
	v10 =	vadd.s32 s16, v1;
	v13 =	vtrunc.f32 v5;
	v17 =	vcvt.f32.s32 v4  }
0x1c6: {  	s26 =	simm.s32 $0x700;
	v7 =	vtrunc.f32 v7;
	v5 =	vld.idx.msk [tilespmem:v11+s24+$0x0], $0xffff;
	v11 =	vcvt.f32.s32 v13;
	[tilespmem:s11+$0x180] =	vst v9;
	v9 =	vadd.s32 s17, v1  }
0x1c7: {  	v4 =	vld.idx.msk [tilespmem:v12+s24+$0x0], $0xffff;
	v12 =	vcvt.f32.s32 v6;
	v13 =	vcvt.f32.s32 v7;
	v7 =	vadd.s32 s26, v1;
	[tilespmem:s11+$0xFFFFFE80] =	vst v17  }
0x1c8: {  	v63 =	vtrunc.f32 v8;
	v8 =	vld.idx.msk [tilespmem:v16+s24+$0x0], $0xffff;
	[tilespmem:s11+$0xFFFFFF00] =	vst v11;
	v11 =	vtrunc.f32 v15  }
0x1c9: {  	s13 =	simm.s32 $0x18;
	s12 =	simm.s32 $0x800;
	v6 =	vld.idx.msk [tilespmem:v14+s24+$0x0], $0xffff;
	[tilespmem:s11+$0xFFFFFF80] =	vst v12;
	v12 =	vcvt.f32.s32 v63;
	v11 =	vcvt.f32.s32 v11  }
.LBB2_30:
0x1ca: {  	p1 =	slt.u32 s13, $0x38;
	v14 =	vadd.s32 s12, v1;
	s8 =	sadd.s32 $0x80, s12;
	s14 =	sadd.s32 $0x380, s12;
	v15 =	vld.idx.msk [tilespmem:v10+s24+$0x0], $0xffff;
	v16 =	vcvt.f32.s32 v3;
	[tilespmem:s11+$0x0] =	vst v13  }
0x1cb: {  	s15 =	sadd.s32 $0x180, s12;
	s16 =	sadd.s32 $0x200, s12;
	v3 =	vtrunc.f32 v2;
	v13 =	vadd.s32 s8, v1;
	s8 =	sadd.s32 $0x100, s12;
	v17 =	vadd.s32 s14, v1;
	v18 =	vld.idx.msk [tilespmem:v9+s24+$0x0], $0xffff;
	[tilespmem:s11+$0x80] =	vst v12  }
0x1cc: {  	v19 =	vadd.s32 s15, v1;
	v2 =	vtrunc.f32 v5;
	v12 =	vadd.s32 s8, v1;
	s8 =	sadd.s32 $0x280, s12;
	s12 =	sadd.s32 $0x300, s12;
	v20 =	vld.idx.msk [tilespmem:v7+s24+$0x0], $0xffff;
	[tilespmem:s11+$0x100] =	vst v11  }
0x1cd: {  	v10 =	vadd.s32 s16, v1;
	v5 =	vcvt.f32.s32 v2;
	v9 =	vadd.s32 s8, v1;
	[tilespmem:s11+$0xFFFFFE00] =	vst v16  }
0x1ce: {  	v4 =	vtrunc.f32 v4;
	v7 =	vadd.s32 s12, v1;
	v6 =	vtrunc.f32 v6;
	s11 =	sadd.s32 $0x1000, s11  }
.Ltmp16:
0x1cf: {  	v11 =	vcvt.f32.s32 v4;
	v8 =	vtrunc.f32 v8;
	v2 =	vld.idx.msk [tilespmem:v14+s24+$0x0], $0xffff;
	[tilespmem:s11+$0x180] =	vst v5;
	(pc) =	sbr.rel @p1 .LBB2_30-.Ltmp16, $4  }
0x1d0: {  	v14 =	vcvt.f32.s32 v6;
	v15 =	vtrunc.f32 v15;
	v5 =	vld.idx.msk [tilespmem:v17+s24+$0x0], $0xffff  }
0x1d1: {  	v16 =	vtrunc.f32 v18;
	v4 =	vld.idx.msk [tilespmem:v13+s24+$0x0], $0xffff;
	[tilespmem:s11+$0xFFFFFE80] =	vst v11;
	v11 =	vcvt.f32.s32 v8  }
0x1d2: {  	v13 =	vcvt.f32.s32 v15;
	v6 =	vld.idx.msk [tilespmem:v12+s24+$0x0], $0xffff;
	[tilespmem:s11+$0xFFFFFF00] =	vst v14;
	v14 =	vtrunc.f32 v20  }
0x1d3: {  	s12 =	sshll.u32 s13, $0x7;
	s13 =	sadd.s32 $0x8, s13;
	v12 =	vcvt.f32.s32 v16;
	v8 =	vld.idx.msk [tilespmem:v19+s24+$0x0], $0xffff;
	[tilespmem:s11+$0xFFFFFF80] =	vst v11;
	v11 =	vcvt.f32.s32 v14  }
0x1d4: {  	_ =	sdelay $0x1  }
0x1d5: {  	s8 =	sadd.s32 $0x380, s12  }
0x1d6: {  	s13 =	sadd.s32 $0x80, s12;
	v3 =	vcvt.f32.s32 v3;
	v14 =	vadd.s32 s8, v1  }
0x1d7: {  	v10 =	vld.idx.msk [tilespmem:v10+s24+$0x0], $0xffff;
	[tilespmem:s11+$0x0] =	vst v13;
	s14 =	sadd.s32 $0x180, s12;
	s15 =	sadd.s32 $0x200, s12;
	s16 =	sadd.s32 $0x280, s12;
	v2 =	vtrunc.f32 v2;
	v45 =	vadd.s32 s13, v1;
	v5 =	vtrunc.f32 v5  }
0x1d8: {  	s26 =	sadd.s32 $0x300, s12;
	s13 =	sadd.s32 $0x100, s12;
	[tilespmem:s11+$0x80] =	vst v12;
	v15 =	vadd.s32 s14, v1;
	v47 =	vadd.s32 s15, v1;
	v48 =	vadd.s32 s16, v1  }
0x1d9: {  	v9 =	vld.idx.msk [tilespmem:v9+s24+$0x0], $0xffff;
	[tilespmem:s11+$0x100] =	vst v11;
	v50 =	vadd.s32 s26, v1;
	v2 =	vcvt.f32.s32 v2;
	v46 =	vadd.s32 s13, v1  }
0x1da: {  	v7 =	vld.idx.msk [tilespmem:v7+s24+$0x0], $0xffff;
	s17 =	sadd.s32 $0x1000, s11;
	v5 =	vcvt.f32.s32 v5;
	v4 =	vtrunc.f32 v4;
	[tilespmem:s11+$0xFFFFFE00] =	vst v3;
	v1 =	vadd.s32 s12, v1  }
0x1db: {  	v3 =	vtrunc.f32 v6;
	v4 =	vcvt.f32.s32 v4;
	[tilespmem:s17+$0xFFFFFE00] =	vst v2;
	v49 =	vld.idx.msk [tilespmem:v14+s24+$0x0], $0xffff  }
0x1dc: {  	v8 =	vtrunc.f32 v8;
	[tilespmem:s17+$0x180] =	vst v5;
	v3 =	vcvt.f32.s32 v3;
	v13 =	vld.idx.msk [tilespmem:v45+s24+$0x0], $0xffff  }
0x1dd: {  	v10 =	vtrunc.f32 v10;
	[tilespmem:s17+$0xFFFFFE80] =	vst v4;
	v51 =	vcvt.f32.s32 v8;
	v54 =	vld.idx.msk [tilespmem:v15+s24+$0x0], $0xffff  }
0x1de: {  	v52 =	vtrunc.f32 v9;
	[tilespmem:s17+$0xFFFFFF00] =	vst v3;
	v3 =	vcvt.f32.s32 v10;
	v53 =	vld.idx.msk [tilespmem:v46+s24+$0x0], $0xffff  }
0x1df: {  	v7 =	vtrunc.f32 v7;
	v55 =	vcvt.f32.s32 v52;
	[tilespmem:s17+$0xFFFFFF80] =	vst v51;
	v1 =	vld.idx.msk [tilespmem:v1+s24+$0x0], $0xffff  }
0x1e0: {  	v7 =	vcvt.f32.s32 v7;
	[tilespmem:s17+$0x0] =	vst v3;
	v3 =	vld.idx.msk [tilespmem:v48+s24+$0x0], $0xffff;
	v57 =	vtrunc.f32 v49  }
0x1e1: {  	v58 =	vld.idx.msk [tilespmem:v50+s24+$0x0], $0xffff;
	[tilespmem:s17+$0x80] =	vst v55;
	v59 =	vtrunc.f32 v13;
	v4 =	vcvt.f32.s32 v57  }
0x1e2: {  	s8 =	sadd.s32 $0x1000, s17;
	v56 =	vld.idx.msk [tilespmem:v47+s24+$0x0], $0xffff;
	[tilespmem:s17+$0x100] =	vst v7;
	v60 =	vtrunc.f32 v54;
	v6 =	vcvt.f32.s32 v59  }
0x1e3: {  	v2 =	vtrunc.f32 v53;
	v62 =	vcvt.f32.s32 v60;
	[tilespmem:s8+$0x180] =	vst v4  }
0x1e4: {  	s10 =	sadd.s32 $0x1, s10;
	v1 =	vtrunc.f32 v1;
	v2 =	vcvt.f32.s32 v2;
	[tilespmem:s8+$0xFFFFFE80] =	vst v6  }
0x1e5: {  	p1 =	sne.s32 s10, $0x20;
	v3 =	vtrunc.f32 v3;
	v1 =	vcvt.f32.s32 v1;
	[tilespmem:s8+$0xFFFFFF80] =	vst v62  }
.Ltmp17:
0x1e6: {  	v63 =	vtrunc.f32 v58;
	v3 =	vcvt.f32.s32 v3;
	[tilespmem:s8+$0xFFFFFF00] =	vst v2;
	(pc) =	sbr.rel @p1 .LBB2_29-.Ltmp17, $4  }
0x1e7: {  	v61 =	vtrunc.f32 v56;
	v4 =	vcvt.f32.s32 v63;
	[tilespmem:s8+$0xFFFFFE00] =	vst v1  }
0x1e8: {  	v2 =	vcvt.f32.s32 v61;
	[tilespmem:s8+$0x80] =	vst v3  }
0x1e9: {  	[tilespmem:s8+$0x100] =	vst v4  }
0x1ea: {  	s9 =	sadd.s32 $0x80, s9;
	s7 =	sadd.s32 $0x1, s7;
	[tilespmem:s8+$0x0] =	vst v2  }
0x1eb: {  	s7 =	simm.s32 $0x0;
	s8 =	rddreg [dreg:$0xd]  }
0x1ec: {  	[hbm4b:s8+s7] =	stream.linear.scatter [tilespmem:s25], [sflag:$0x3], $0x8000, $0x38;
	[tilespmem:$0x18200] =	vst v63  }
0x1ed: {  	_ =	swait.ge [sflag:s30], $0x8000  }
0x1ee: {  	[sflag:s30] =	ssyncset.done $0x0  }
0x1ef: {  	s9 =	simm.s32 $0x0;
	s10 =	simm.s32 $0x0;
	[sflag:s30] =	ssyncadd.s32 $0xFFFF8000  }
.LBB2_33:
0x1f0: {  	s8 =	sshll.u32 s10, $0x4  }
0x1f1: {  	v1 =	vld [tilespmem:s8+$0x0];
	_ =	sdelay $0x4  }
0x1f2: {  	v2 =	vsub.s32 v1, v0  }
0x1f3: {  	v1 =	vand.u32 $0x7F, v1;
	v2 =	vand.u32 $0xFFFFFF80, v2  }
0x1f4: {  	s26 =	simm.s32 $0x2380;
	v1 =	vor.u32 v1, v2  }
0x1f5: {  	s11 =	simm.s32 $0x2000;
	v2 =	vadd.s32 s26, v1  }
0x1f6: {  	s12 =	simm.s32 $0x2100;
	v3 =	vadd.s32 s11, v1  }
0x1f7: {  	s13 =	simm.s32 $0x2180;
	v5 =	vadd.s32 s12, v1  }
0x1f8: {  	s11 =	simm.s32 $0x2080;
	v6 =	vadd.s32 s13, v1  }
0x1f9: {  	s14 =	simm.s32 $0x2200;
	v4 =	vadd.s32 s11, v1  }
0x1fa: {  	s15 =	simm.s32 $0x2280;
	v7 =	vadd.s32 s14, v1;
	v2 =	vld.idx.msk [tilespmem:v2+s24+$0x0], $0xffff  }
0x1fb: {  	s16 =	simm.s32 $0x2300;
	v8 =	vadd.s32 s15, v1;
	v3 =	vld.idx.msk [tilespmem:v3+s24+$0x0], $0xffff  }
0x1fc: {  	s17 =	simm.s32 $0x2780;
	v10 =	vadd.s32 s16, v1;
	v5 =	vld.idx.msk [tilespmem:v5+s24+$0x0], $0xffff  }
0x1fd: {  	v12 =	vadd.s32 s17, v1;
	v11 =	vld.idx.msk [tilespmem:v6+s24+$0x0], $0xffff  }
0x1fe: {  	s14 =	simm.s32 $0x2480;
	v4 =	vld.idx.msk [tilespmem:v4+s24+$0x0], $0xffff  }
0x1ff: {  	s26 =	simm.s32 $0x2400;
	s13 =	sshll.u32 s9, $0x2;
	s12 =	sand.u32 $0x7, s7;
	v16 =	vadd.s32 s14, v1;
	v15 =	vld.idx.msk [tilespmem:v7+s24+$0x0], $0xffff  }
0x200: {  	v13 =	vadd.s32 s26, v1;
	s8 =	sand.u32 $0xFFFFF000, s13;
	s12 =	sshll.u32 s12, $0x6;
	s13 =	simm.s32 $0x2500;
	v17 =	vld.idx.msk [tilespmem:v8+s24+$0x0], $0xffff;
	v2 =	vtrunc.f32 v2  }
0x201: {  	s15 =	simm.s32 $0x2580;
	s8 =	sor.u32 s12, s8;
	v8 =	vadd.s32 s13, v1;
	v10 =	vld.idx.msk [tilespmem:v10+s24+$0x0], $0xffff;
	v3 =	vtrunc.f32 v3;
	v18 =	vtrunc.f32 v5  }
0x202: {  	s16 =	simm.s32 $0x2600;
	v9 =	vadd.s32 s15, v1;
	s8 =	sshrl.u32 s8, $0x2;
	v7 =	vld.idx.msk [tilespmem:v12+s24+$0x0], $0xffff;
	v12 =	vtrunc.f32 v11;
	v2 =	vcvt.f32.s32 v2  }
0x203: {  	s17 =	simm.s32 $0x2680;
	s11 =	sadd.s32 $0x10400, s8;
	v6 =	vadd.s32 s16, v1;
	v14 =	vtrunc.f32 v4;
	v19 =	vcvt.f32.s32 v3  }
0x204: {  	s26 =	simm.s32 $0x2700;
	v11 =	vtrunc.f32 v15;
	v5 =	vld.idx.msk [tilespmem:v16+s24+$0x0], $0xffff;
	v3 =	vadd.s32 s17, v1;
	v14 =	vcvt.f32.s32 v14;
	[tilespmem:s11+$0x180] =	vst v2  }
0x205: {  	s12 =	simm.s32 $0x8;
	v4 =	vld.idx.msk [tilespmem:v13+s24+$0x0], $0xffff;
	v15 =	vcvt.f32.s32 v18;
	v13 =	vtrunc.f32 v17;
	v2 =	vadd.s32 s26, v1;
	[tilespmem:s11+$0xFFFFFE00] =	vst v19  }
.LBB2_34:
0x206: {  	s8 =	sshll.u32 s12, $0x7;
	s12 =	sadd.s32 $0x8, s12;
	v16 =	vld.idx.msk [tilespmem:v8+s24+$0x0], $0xffff;
	[tilespmem:s11+$0xFFFFFE80] =	vst v14;
	v8 =	vcvt.f32.s32 v12;
	v10 =	vtrunc.f32 v10  }
0x207: {  	s13 =	sadd.s32 $0x2400, s8;
	s14 =	sadd.s32 $0x2780, s8;
	p1 =	slt.u32 s12, $0x38;
	v12 =	vld.idx.msk [tilespmem:v9+s24+$0x0], $0xffff;
	[tilespmem:s11+$0xFFFFFF00] =	vst v15;
	v9 =	vcvt.f32.s32 v11;
	v11 =	vcvt.f32.s32 v13  }
0x208: {  	s15 =	sadd.s32 $0x2500, s8;
	s16 =	sadd.s32 $0x2580, s8;
	v17 =	vcvt.f32.s32 v10;
	v13 =	vadd.s32 s13, v1;
	s13 =	sadd.s32 $0x2480, s8;
	v14 =	vadd.s32 s14, v1;
	v15 =	vld.idx.msk [tilespmem:v6+s24+$0x0], $0xffff;
	[tilespmem:s11+$0xFFFFFF80] =	vst v8  }
0x209: {  	v8 =	vadd.s32 s15, v1;
	s14 =	sadd.s32 $0x2680, s8;
	v18 =	vadd.s32 s13, v1;
	s13 =	sadd.s32 $0x2600, s8;
	s8 =	sadd.s32 $0x2700, s8;
	v19 =	vld.idx.msk [tilespmem:v3+s24+$0x0], $0xffff;
	v3 =	vtrunc.f32 v7;
	[tilespmem:s11+$0x0] =	vst v9  }
0x20a: {  	v9 =	vadd.s32 s16, v1;
	v6 =	vadd.s32 s13, v1;
	v10 =	vld.idx.msk [tilespmem:v2+s24+$0x0], $0xffff;
	v7 =	vcvt.f32.s32 v3;
	[tilespmem:s11+$0x80] =	vst v11  }
.Ltmp18:
0x20b: {  	v4 =	vtrunc.f32 v4;
	v3 =	vadd.s32 s14, v1;
	v2 =	vadd.s32 s8, v1;
	[tilespmem:s11+$0x100] =	vst v17;
	s11 =	sadd.s32 $0x1000, s11;
	(pc) =	sbr.rel @p1 .LBB2_34-.Ltmp18, $4  }
0x20c: {  	v5 =	vtrunc.f32 v5;
	v16 =	vtrunc.f32 v16;
	[tilespmem:s11+$0x180] =	vst v7  }
0x20d: {  	v17 =	vcvt.f32.s32 v4;
	v12 =	vtrunc.f32 v12;
	v7 =	vld.idx.msk [tilespmem:v14+s24+$0x0], $0xffff  }
0x20e: {  	v14 =	vcvt.f32.s32 v5;
	v11 =	vtrunc.f32 v15;
	v4 =	vld.idx.msk [tilespmem:v13+s24+$0x0], $0xffff  }
0x20f: {  	v15 =	vcvt.f32.s32 v16;
	v13 =	vtrunc.f32 v19;
	v5 =	vld.idx.msk [tilespmem:v18+s24+$0x0], $0xffff;
	[tilespmem:s11+$0xFFFFFE00] =	vst v17  }
0x210: {  	_ =	sdelay $0x2  }
0x211: {  	[tilespmem:s11+$0xFFFFFE80] =	vst v14;
	v1 =	vcvt.f32.s32 v12  }
0x212: {  	v8 =	vld.idx.msk [tilespmem:v8+s24+$0x0], $0xffff;
	v11 =	vcvt.f32.s32 v11;
	[tilespmem:s11+$0xFFFFFF00] =	vst v15  }
0x213: {  	v10 =	vtrunc.f32 v10;
	v9 =	vld.idx.msk [tilespmem:v9+s24+$0x0], $0xffff;
	v58 =	vcvt.f32.s32 v13;
	[tilespmem:s11+$0xFFFFFF80] =	vst v1  }
0x214: {  	v3 =	vld.idx.msk [tilespmem:v3+s24+$0x0], $0xffff;
	v59 =	vcvt.f32.s32 v10;
	v7 =	vtrunc.f32 v7;
	[tilespmem:s11+$0x0] =	vst v11  }
0x215: {  	v2 =	vld.idx.msk [tilespmem:v2+s24+$0x0], $0xffff;
	[tilespmem:s11+$0x80] =	vst v58;
	v7 =	vcvt.f32.s32 v7;
	v4 =	vtrunc.f32 v4  }
0x216: {  	s8 =	sadd.s32 $0x1000, s11;
	v1 =	vld.idx.msk [tilespmem:v6+s24+$0x0], $0xffff;
	[tilespmem:s11+$0x100] =	vst v59;
	v5 =	vtrunc.f32 v5;
	v4 =	vcvt.f32.s32 v4  }
0x217: {  	v60 =	vtrunc.f32 v8;
	[tilespmem:s8+$0x180] =	vst v7;
	v5 =	vcvt.f32.s32 v5  }
0x218: {  	s10 =	sadd.s32 $0x1, s10;
	v61 =	vtrunc.f32 v9;
	[tilespmem:s8+$0xFFFFFE00] =	vst v4;
	v62 =	vcvt.f32.s32 v60  }
0x219: {  	p1 =	sne.s32 s10, $0x20;
	v3 =	vtrunc.f32 v3;
	v63 =	vcvt.f32.s32 v61;
	[tilespmem:s8+$0xFFFFFE80] =	vst v5  }
.Ltmp19:
0x21a: {  	v2 =	vtrunc.f32 v2;
	v3 =	vcvt.f32.s32 v3;
	[tilespmem:s8+$0xFFFFFF00] =	vst v62;
	(pc) =	sbr.rel @p1 .LBB2_33-.Ltmp19, $4  }
0x21b: {  	v2 =	vcvt.f32.s32 v2;
	v1 =	vtrunc.f32 v1;
	[tilespmem:s8+$0xFFFFFF80] =	vst v63  }
0x21c: {  	v1 =	vcvt.f32.s32 v1;
	[tilespmem:s8+$0x80] =	vst v3  }
0x21d: {  	[tilespmem:s8+$0x100] =	vst v2  }
0x21e: {  	s9 =	sadd.s32 $0x80, s9;
	s7 =	sadd.s32 $0x1, s7;
	[tilespmem:s8+$0x0] =	vst v1  }
0x21f: {  	s7 =	rddreg [dreg:$0xe]  }
0x220: {  	[hbm4b:s7+s5] =	stream.linear.scatter [tilespmem:s18], [sflag:$0x4], $0x8000, $0x38;
	[tilespmem:$0x18200] =	vst v63  }
0x221: {  	_ =	swait.ge [sflag:s29], $0x8000  }
0x222: {  	[sflag:s29] =	ssyncset.done $0x0  }
0x223: {  	[sflag:s29] =	ssyncadd.s32 $0xFFFF8000  }
0x224: {  	_ =	swait.ge [sflag:s30], $0x8000  }
0x225: {  	[sflag:s30] =	ssyncset.done $0x0  }
0x226: {  	[sflag:s30] =	ssyncadd.s32 $0xFFFF8000  }
.LBB2_37:
0x227: {  	p1 =	sle.s32 s3, s0  }
.Ltmp20:
0x228: {  	_ = 	snop;
	(pc) =	sbr.rel @p1 .LBB2_46-.Ltmp20, $1  }
0x229: {  	_ =	sdelay $0x3  }
0x22a: {  	s3 =	simm.s32 $0xFFFFFFFF  }
0x22b: {  	s3 =	simm.s32 @!p0 $0x0  }
0x22c: {  	s2 =	sadd.s32 s3, s2  }
0x22d: {  	s2 =	ssub.s32 s2, s0  }
0x22e: {  	s3 =	simm.s32 $0x0;
	s2 =	sadd.s32 $0x1, s2  }
.LBB2_39:
0x22f: {  	s7 =	sshll.u32 s3, $0x6  }
0x230: {  	s9 =	simm.s32 $0x0;
	s7 =	sadd.s32 s6, s7  }
.LBB2_40:
0x231: {  	s8 =	sadd.s32 s0, s9  }
0x232: {  	s10 =	sadd.s32 s7, s8  }
0x233: {  	s10 =	sshll.u32 s10, $0x7  }
0x234: {  	s10 =	sand.u32 $0x1FFFFF80, s10  }
0x235: {  	s10 =	sadd.s32 s1, s10  }
0x236: {  	[tilespmem:s23], [sflag:$0x5] =	stream.strided.gather [hbm4b:s10+s21], $0x2000, s22, s21, $0x38;
	[tilespmem:$0x18200] =	vst v63  }
0x237: {  	_ =	swait.ge [sflag:s19], $0x2000  }
0x238: {  	s11 =	simm.s32 $0x0;
	s8 =	sshll.u32 s8, $0x7;
	[sflag:s19] =	ssyncset.done $0x0  }
0x239: {  	s12 =	simm.s32 $0x0;
	v0 =	vmov s8;
	s10 =	simm.s32 $0x0;
	[sflag:s19] =	ssyncadd.s32 $0xFFFFE000  }
.LBB2_41:
0x23a: {  	s8 =	sshll.u32 s12, $0x4  }
0x23b: {  	v1 =	vld [tilespmem:s8+$0x0];
	_ =	sdelay $0x4  }
0x23c: {  	v3 =	vsub.s32 v1, v0  }
0x23d: {  	vm0 =	vgt.s32 v3, $0x0  }
0x23e: {  	v1 =	vnsel vm0, $0x0, v3  }
0x23f: {  	s18 =	simm.s32 $0x0;
	v1 =	vmin.u32 v1, $0x7F  }
0x240: {  	s26 =	simm.s32 $0x380;
	v2 =	vor.u32 s18, v1  }
0x241: {  	s13 =	simm.s32 $0x80;
	v4 =	vor.u32 s26, v1  }
0x242: {  	s15 =	simm.s32 $0x180;
	v5 =	vor.u32 s13, v1  }
0x243: {  	s14 =	simm.s32 $0x100;
	v7 =	vor.u32 s15, v1  }
0x244: {  	v6 =	vor.u32 s14, v1  }
0x245: {  	s16 =	sshll.u32 s11, $0x2;
	s17 =	sand.u32 $0x7, s10;
	v2 =	vld.idx.msk [tilespmem:v2+s23+$0x0], $0xffff  }
0x246: {  	s8 =	sand.u32 $0xFFFFF000, s16;
	s14 =	simm.s32 $0x200;
	s13 =	sshll.u32 s17, $0x6;
	v4 =	vld.idx.msk [tilespmem:v4+s23+$0x0], $0xffff  }
0x247: {  	s26 =	simm.s32 $0x300;
	v8 =	vor.u32 s14, v1;
	s8 =	sor.u32 s13, s8;
	v10 =	vld.idx.msk [tilespmem:v5+s23+$0x0], $0xffff  }
0x248: {  	s18 =	simm.s32 $0x280;
	v11 =	vor.u32 s26, v1;
	s8 =	sshrl.u32 s8, $0x2;
	v13 =	vld.idx.msk [tilespmem:v7+s23+$0x0], $0xffff  }
0x249: {  	v9 =	vor.u32 s18, v1;
	s13 =	sadd.s32 $0x8400, s8;
	v12 =	vld.idx.msk [tilespmem:v6+s23+$0x0], $0xffff  }
0x24a: {  	v14 =	vld [tilespmem:s13+$0x180]  }
0x24b: {  	vm0 =	vlt.u32 v3, $0x80;
	v3 =	vld [tilespmem:s13+$0xFFFFFE00];
	v2 =	vtrunc.f32 v2  }
0x24c: {  	v6 =	vld.idx.msk [tilespmem:v8+s23+$0x0], $0xffff;
	v7 =	vtrunc.f32 v4;
	v8 =	vtrunc.f32 v10  }
0x24d: {  	v4 =	vld.idx.msk [tilespmem:v11+s23+$0x0], $0xffff;
	v10 =	vtrunc.f32 v13;
	v11 =	vcvt.f32.s32 v7  }
0x24e: {  	v5 =	vld.idx.msk [tilespmem:v9+s23+$0x0], $0xffff;
	v2 =	vcvt.f32.s32 v2;
	v7 =	vtrunc.f32 v12  }
0x24f: {  	s16 =	simm.s32 $0x400;
	s15 =	simm.s32 $0x10;
	s14 =	smov.u32 s13;
	v9 =	vld [tilespmem:s13+$0xFFFFFE80];
	v8 =	vcvt.f32.s32 v8;
	v7 =	vcvt.f32.s32 v7;
	v11 =	vsel vm0, v11, v14  }
.LBB2_42:
0x250: {  	p0 =	slt.u32 s15, $0x38;
	v12 =	vor.u32 s16, v1;
	s8 =	sadd.s32 $0x80, s16;
	s17 =	sadd.s32 $0x380, s16;
	v13 =	vld [tilespmem:s13+$0xFFFFFF00];
	v10 =	vcvt.f32.s32 v10;
	[tilespmem:s13+$0x180] =	vst v11  }
0x251: {  	s26 =	sadd.s32 $0x180, s16;
	s18 =	sadd.s32 $0x200, s16;
	v6 =	vtrunc.f32 v6;
	v11 =	vor.u32 s8, v1;
	s8 =	sadd.s32 $0x100, s16;
	v14 =	vor.u32 s17, v1;
	v15 =	vld [tilespmem:s13+$0xFFFFFF80]  }
0x252: {  	v17 =	vor.u32 s26, v1;
	v18 =	vor.u32 s18, v1;
	v16 =	vor.u32 s8, v1;
	s8 =	sadd.s32 $0x280, s16;
	s16 =	sadd.s32 $0x300, s16;
	v19 =	vld [tilespmem:s13+$0x0]  }
0x253: {  	v5 =	vtrunc.f32 v5;
	v20 =	vor.u32 s8, v1;
	v21 =	vor.u32 s16, v1;
	v22 =	vld [tilespmem:s13+$0x80]  }
0x254: {  	v6 =	vcvt.f32.s32 v6;
	v4 =	vtrunc.f32 v4;
	v8 =	vsel vm0, v8, v9;
	v9 =	vld [tilespmem:s13+$0x100]  }
0x255: {  	v5 =	vcvt.f32.s32 v5;
	v4 =	vcvt.f32.s32 v4;
	v12 =	vld.idx.msk [tilespmem:v12+s23+$0x0], $0xffff;
	[tilespmem:s13+$0xFFFFFE80] =	vst v8;
	v7 =	vsel vm0, v7, v13  }
0x256: {  	v2 =	vsel vm0, v2, v3;
	v8 =	vld.idx.msk [tilespmem:v14+s23+$0x0], $0xffff;
	[tilespmem:s13+$0xFFFFFF00] =	vst v7;
	v3 =	vsel vm0, v10, v15  }
0x257: {  	v7 =	vld.idx.msk [tilespmem:v11+s23+$0x0], $0xffff;
	[tilespmem:s13+$0xFFFFFF80] =	vst v3;
	v3 =	vsel vm0, v6, v19  }
0x258: {  	v10 =	vld.idx.msk [tilespmem:v16+s23+$0x0], $0xffff;
	[tilespmem:s13+$0x0] =	vst v3;
	v3 =	vsel vm0, v5, v22  }
0x259: {  	s13 =	sadd.s32 $0x1000, s13;
	v11 =	vld.idx.msk [tilespmem:v17+s23+$0x0], $0xffff;
	[tilespmem:s14+$0x80] =	vst v3;
	v3 =	vsel vm0, v4, v9  }
0x25a: {  	v13 =	vld [tilespmem:s13+$0x180];
	[tilespmem:s14+$0x100] =	vst v3  }
.Ltmp21:
0x25b: {  	v3 =	vtrunc.f32 v12;
	v6 =	vld.idx.msk [tilespmem:v18+s23+$0x0], $0xffff;
	[tilespmem:s14+$0xFFFFFE00] =	vst v2;
	s14 =	smov.u32 s13;
	(pc) =	sbr.rel @p0 .LBB2_42-.Ltmp21, $4  }
0x25c: {  	v2 =	vcvt.f32.s32 v3;
	v3 =	vtrunc.f32 v8;
	v5 =	vld.idx.msk [tilespmem:v20+s23+$0x0], $0xffff  }
0x25d: {  	v7 =	vtrunc.f32 v7;
	v12 =	vcvt.f32.s32 v3;
	v4 =	vld.idx.msk [tilespmem:v21+s23+$0x0], $0xffff  }
0x25e: {  	v8 =	vcvt.f32.s32 v7;
	v7 =	vtrunc.f32 v10;
	v3 =	vld [tilespmem:s13+$0xFFFFFE00]  }
0x25f: {  	s16 =	sshll.u32 s15, $0x7;
	s15 =	sadd.s32 $0x8, s15;
	v7 =	vcvt.f32.s32 v7;
	v10 =	vtrunc.f32 v11;
	v9 =	vld [tilespmem:s13+$0xFFFFFE80];
	v11 =	vsel vm0, v12, v13  }
0x260: {  	v13 =	vld [tilespmem:s13+$0xFFFFFF00]  }
0x261: {  	v15 =	vld [tilespmem:s13+$0xFFFFFF80]  }
0x262: {  	v17 =	vld [tilespmem:s13+$0x0]  }
0x263: {  	s26 =	sadd.s32 $0x180, s16;
	v19 =	vld [tilespmem:s13+$0x80]  }
0x264: {  	s8 =	sadd.s32 $0x380, s16;
	v21 =	vld [tilespmem:s13+$0x100];
	v20 =	vor.u32 s26, v1;
	s26 =	sadd.s32 $0x1000, s13  }
0x265: {  	s15 =	sadd.s32 $0x80, s16;
	v14 =	vor.u32 s8, v1;
	v24 =	vld [tilespmem:s26+$0x180]  }
0x266: {  	s18 =	sadd.s32 $0x100, s16;
	v16 =	vor.u32 s15, v1;
	v51 =	vld [tilespmem:s26+$0xFFFFFE80]  }
0x267: {  	v18 =	vor.u32 s18, v1;
	v53 =	vld [tilespmem:s26+$0xFFFFFF00]  }
0x268: {  	v12 =	vor.u32 s16, v1;
	s17 =	sadd.s32 $0x280, s16;
	s15 =	sadd.s32 $0x200, s16;
	s18 =	sadd.s32 $0x300, s16;
	v55 =	vld [tilespmem:s26+$0xFFFFFF80]  }
0x269: {  	v23 =	vor.u32 s17, v1;
	v22 =	vor.u32 s15, v1;
	v1 =	vor.u32 s18, v1;
	v61 =	vld [tilespmem:s26+$0x100]  }
0x26a: {  	v14 =	vld.idx.msk [tilespmem:v14+s23+$0x0], $0xffff  }
0x26b: {  	[tilespmem:s13+$0x180] =	vst v11;
	v2 =	vsel vm0, v2, v3;
	v16 =	vld.idx.msk [tilespmem:v16+s23+$0x0], $0xffff  }
0x26c: {  	v47 =	vcvt.f32.s32 v10;
	v6 =	vtrunc.f32 v6;
	v8 =	vsel vm0, v8, v9;
	[tilespmem:s14+$0xFFFFFE00] =	vst v2;
	v18 =	vld.idx.msk [tilespmem:v18+s23+$0x0], $0xffff  }
0x26d: {  	v5 =	vtrunc.f32 v5;
	v6 =	vcvt.f32.s32 v6;
	[tilespmem:s13+$0xFFFFFE80] =	vst v8;
	v7 =	vsel vm0, v7, v13;
	v20 =	vld.idx.msk [tilespmem:v20+s23+$0x0], $0xffff  }
0x26e: {  	v4 =	vtrunc.f32 v4;
	v5 =	vcvt.f32.s32 v5;
	v50 =	vsel vm0, v47, v15;
	[tilespmem:s13+$0xFFFFFF00] =	vst v7;
	v1 =	vld.idx.msk [tilespmem:v1+s23+$0x0], $0xffff  }
0x26f: {  	v4 =	vcvt.f32.s32 v4;
	v6 =	vsel vm0, v6, v17;
	[tilespmem:s13+$0xFFFFFF80] =	vst v50;
	v48 =	vld.idx.msk [tilespmem:v22+s23+$0x0], $0xffff;
	v52 =	vtrunc.f32 v14  }
0x270: {  	v5 =	vsel vm0, v5, v19;
	v49 =	vld.idx.msk [tilespmem:v23+s23+$0x0], $0xffff;
	[tilespmem:s13+$0x0] =	vst v6;
	v54 =	vtrunc.f32 v16;
	v6 =	vcvt.f32.s32 v52  }
0x271: {  	v12 =	vld.idx.msk [tilespmem:v12+s23+$0x0], $0xffff;
	v4 =	vsel vm0, v4, v21;
	[tilespmem:s14+$0x80] =	vst v5;
	v56 =	vtrunc.f32 v18;
	v3 =	vcvt.f32.s32 v54  }
0x272: {  	v57 =	vld [tilespmem:s26+$0x0];
	[tilespmem:s14+$0x100] =	vst v4;
	v58 =	vtrunc.f32 v20;
	v2 =	vcvt.f32.s32 v56;
	v6 =	vsel vm0, v6, v24  }
0x273: {  	v59 =	vld [tilespmem:s26+$0x80];
	v4 =	vcvt.f32.s32 v58;
	v1 =	vtrunc.f32 v1;
	v3 =	vsel vm0, v3, v51;
	[tilespmem:s26+$0x180] =	vst v6  }
0x274: {  	s12 =	sadd.s32 $0x1, s12;
	v62 =	vld [tilespmem:s26+$0xFFFFFE00];
	v60 =	vtrunc.f32 v48;
	v1 =	vcvt.f32.s32 v1;
	v2 =	vsel vm0, v2, v53;
	[tilespmem:s26+$0xFFFFFE80] =	vst v3  }
0x275: {  	p0 =	sne.s32 s12, $0x20;
	v8 =	vtrunc.f32 v49;
	v6 =	vcvt.f32.s32 v60;
	[tilespmem:s26+$0xFFFFFF00] =	vst v2;
	v2 =	vsel vm0, v4, v55  }
.Ltmp22:
0x276: {  	v63 =	vtrunc.f32 v12;
	v3 =	vcvt.f32.s32 v8;
	v1 =	vsel vm0, v1, v61;
	[tilespmem:s26+$0xFFFFFF80] =	vst v2;
	(pc) =	sbr.rel @p0 .LBB2_41-.Ltmp22, $4  }
0x277: {  	v4 =	vcvt.f32.s32 v63;
	[tilespmem:s26+$0x100] =	vst v1;
	v2 =	vsel vm0, v6, v57  }
0x278: {  	[tilespmem:s26+$0x0] =	vst v2;
	v2 =	vsel vm0, v3, v59  }
0x279: {  	[tilespmem:s26+$0x80] =	vst v2;
	v2 =	vsel vm0, v4, v62  }
0x27a: {  	s11 =	sadd.s32 $0x80, s11;
	s10 =	sadd.s32 $0x1, s10;
	[tilespmem:s26+$0xFFFFFE00] =	vst v2  }
0x27b: {  	s9 =	sadd.s32 $0x1, s9  }
0x27c: {  	p0 =	sne.s32 s9, s2  }
.Ltmp23:
0x27d: {  	_ = 	snop;
	(pc) =	sbr.rel @p0 .LBB2_40-.Ltmp23, $1  }
0x27e: {  	_ =	sdelay $0x3  }
0x27f: {  	s7 =	sshll.u32 s7, $0x6;
	s3 =	sadd.s32 $0x1, s3  }
0x280: {  	s7 =	sadd.s32 s4, s7;
	p0 =	sne.s32 s3, $0x8  }
0x281: {  	[hbm4b:s7+s5] =	stream.linear.scatter [tilespmem:s25], [sflag:$0x5], $0x8000, $0x38;
	[tilespmem:$0x18200] =	vst v63  }
.Ltmp24:
0x282: {  	_ = 	snop;
	(pc) =	sbr.rel @p0 .LBB2_39-.Ltmp24, $4  }
.Ltmp25:
0x283: {  	_ = 	snop;
	(pc) =	sbr.rel @!p0 .LBB2_46-.Ltmp25, $4  }
0x284: {  	_ =	swait.ge [sflag:s19], $0x8000  }
0x285: {  	[sflag:s19] =	ssyncset.done $0x0  }
0x286: {  	[sflag:s19] =	ssyncadd.s32 $0xFFFF8000  }
0x287: {  	_ = 	snop  }
.LBB2_47:
0x288: {  	_ =	sfence.sel $0x180000  }
0x289: {  	[bflag:$0x0] =	sbarrier.arrive $0xFFFF  }
0x28a: {  	_ =	strace $0x90000047  }
0x28b: {  	s0 =	stileid.u32;
	[bflag:$0x2] =	sbarrier.arrive $0xFFFF  }
0x28c: {  	p0 =	sne.s32 s0, $0x0;
	s0 =	rddreg [dreg:$0x3]  }
0x28d: {  	s0 =	sadd.s32 @!p0 $0x100000, s0  }
0x28e: {  	[sflag:s0] =	ssyncadd.tile.s32 @!p0 $0x1;
	_ =	shalt  }
.Lfunc_end2:
_tile_overlayer_lowered:
.L_overlay_start_2:
0x28f: {  	(tag) =	ssettag $0x2  }
0x290: {  	s0 =	rddreg [dreg:$0x0];
	s2 =	stileid.u32  }
0x291: {  	s1 =	rddreg [dreg:$0x1];
	p0 =	sne.s32 s2, $0x0  }
0x292: {  	s3 =	rddreg [dreg:$0x2];
	[bflag:$0x3] =	sbarrier.arrive $0xFFFF;
	s2 =	simm.s32 @!p0 $0x1C05  }
0x293: {  	[timem:s3], [sflag:s2] =	dma.local @!p0 [hbm:s0], s1  }
0x294: {  	s0 =	simm.s32 @!p0 $0x5  }
0x295: {  	_ =	swait.ge @!p0 [sflag:s0], s1  }
0x296: {  	s1 =	ssub.s32 @!p0 $0x0, s1;
	[sflag:s0] =	ssyncset.done @!p0 $0x0  }
0x297: {  	[sflag:s0] =	ssyncadd.s32 @!p0 s1  }
0x298: {  	[bflag:$0x3] =	sbarrier.arrive $0xFFFF  }
0x299: {  	_ =	shalt  }

</sc_bundles>
